<compile_context>
chip_gen: v7x
topology: tpu7x:2x2x1
jax: 0.10.2.dev20260603
libtpu: 0.0.44.dev20260713+nightly
codegen_flags: <defaults>
</compile_context>

<pallas_src>
import jax
import jax.numpy as jnp
from jax import lax
from jax.experimental import pallas as pl
from jax.experimental.pallas import tpu as pltpu
from jax.experimental.pallas import tpu_sc as plsc

_NUM_LP = 128
_DIM = 1024
_INPUT_LEN = 4096
_BATCH = 4
_TOTAL = _INPUT_LEN + _NUM_LP

_NC = 2
_NS = 16
_NW = _NC * _NS

_XROWS = _BATCH * _INPUT_LEN
_X_PER_W = _XROWS // _NW
_CHUNK = 32
_NCHUNK = _X_PER_W // _CHUNK
_NBUF = 2
_LP_PER_W = _BATCH * _NUM_LP // _NW


def _body(x_hbm, lps_hbm, out_hbm, idx_v, *rest):
    bufs = rest[:_NBUF]
    lpsrc_v, lpdst_v, lpbuf = rest[_NBUF:_NBUF + 3]
    rsems = rest[_NBUF + 3:2 * _NBUF + 3]
    wsems = rest[2 * _NBUF + 3:3 * _NBUF + 3]
    lpsem = rest[3 * _NBUF + 3]
    wid = lax.axis_index("s") * _NC + lax.axis_index("c")
    base = wid * _X_PER_W
    lane = lax.iota(jnp.int32, 16)

    g = wid * _LP_PER_W + lane
    k = g & (_NUM_LP - 1)
    lpsrc_v[...] = k
    lpdst_v[...] = (g >> 7) * _TOTAL + 33 * k + ((32 * k * 4129) >> 19)
    lp_gather = pltpu.async_copy(lps_hbm.at[lpsrc_v], lpbuf, lpsem)

    def read_copy(i, b):
        return pltpu.make_async_copy(
            x_hbm.at[pl.ds(base + i * _CHUNK, _CHUNK)], bufs[b], rsems[b])

    def write_copy(i, b):
        return pltpu.make_async_copy(bufs[b], out_hbm.at[idx_v.at[i]],
                                     wsems[b])

    for b in range(_NBUF):
        read_copy(b, b).start()

    for c in range(_NCHUNK):
        for j in range(_CHUNK // 16):
            i = base + c * _CHUNK + j * 16 + lane
            r = i & (_INPUT_LEN - 1)
            idx_v[c, pl.ds(j * 16, 16)] = (
                i + ((i >> 12) << 7) + ((127 * r + 126) >> 12) + 1)

    lp_gather.wait()
    lp_scatter = pltpu.async_copy(lpbuf, out_hbm.at[lpdst_v], lpsem)

    def group(gi, carry):
        for b in range(_NBUF):
            i = _NBUF * gi + b
            read_copy(i, b).wait()
            write_copy(i, b).start()

            @pl.when(gi + 1 < _NCHUNK // _NBUF)
            def _():
                write_copy(i, b).wait()
                read_copy(i + _NBUF, b).start()
        return carry

    lax.fori_loop(0, _NCHUNK // _NBUF, group, 0)

    for b in range(_NBUF):
        write_copy(_NCHUNK - _NBUF + b, b).wait()
    lp_scatter.wait()


@jax.jit
def _run(x, lps):
    x2d = x.reshape(_XROWS, _DIM)
    mesh = plsc.VectorSubcoreMesh(
        core_axis_name="c", subcore_axis_name="s",
        num_cores=_NC, num_subcores=_NS)
    out = pl.kernel(
        _body,
        out_type=jax.ShapeDtypeStruct((_BATCH * _TOTAL, _DIM), jnp.float32),
        mesh=mesh,
        scratch_types=(
            [pltpu.VMEM((_NCHUNK, _CHUNK), jnp.int32)]
            + [pltpu.VMEM((_CHUNK, _DIM), jnp.float32)] * _NBUF
            + [pltpu.VMEM((16,), jnp.int32),
               pltpu.VMEM((16,), jnp.int32),
               pltpu.VMEM((_LP_PER_W, _DIM), jnp.float32)]
            + [pltpu.SemaphoreType.DMA] * (2 * _NBUF + 1)
        ),
    )(x2d, lps)
    return out.reshape(_BATCH, _TOTAL, _DIM)


def kernel(x, lps):
    return _run(x, lps)

# --- scband reference (transcript-rebuilt; emitter-appended) ---
"""Pipeline reference for scband-implicit-sequential-bias-1211180777594 (READ-ONLY COPY).

The authoritative reference and input builder live on the scoring server;
editing this copy changes nothing except your own understanding.
"""

import jax, jax.numpy as jnp
import numpy as np

NUM_LP = 128
DIM = 1024
INPUT_LEN = 4096
BATCH = 4


def _compute_perm(seq_len, n_insert):
    # Mirrors compute_interleave_permutation: torch.linspace(...).long() truncates,
    # np.linspace(...).astype(int64) truncates identically for non-negative values.
    total_len = seq_len + n_insert
    insert_idxs = np.linspace(0, total_len - 1, n_insert).astype(np.int64)
    perm = np.full((total_len,), -1, dtype=np.int64)
    perm[insert_idxs] = np.arange(seq_len, seq_len + n_insert, dtype=np.int64)
    perm[perm == -1] = np.arange(seq_len, dtype=np.int64)
    return jnp.asarray(perm)


def setup_inputs(seed: int = 0) -> dict:
    key = jax.random.key(seed)
    k1, k2 = jax.random.split(key)
    x = jax.random.normal(k1, (BATCH, INPUT_LEN, DIM), dtype=jnp.float32)
    # learnable position tokens parameter (nn.Parameter initialized with randn)
    lps = jax.random.normal(k2, (NUM_LP, DIM), dtype=jnp.float32)
    return {"x": x, "lps": lps}


def reference(x, lps):
    B, L, D = x.shape
    n_lp = lps.shape[0]
    perm = _compute_perm(L, n_lp)  # constant index permutation
    w = jnp.broadcast_to(lps[None, :, :], (B, n_lp, D))  # einops.repeat 'n d -> b n d'
    x_full = jnp.concatenate([x, w], axis=1)             # (B, L + n_lp, D)
    x_perm = jnp.take(x_full, perm, axis=1)              # interleave gather
    return x_perm

if __name__ == "__main__":
    import jax
    _d = setup_inputs()
    print(jax.jit(kernel)(*tuple(_d.values())))

</pallas_src>

<mosaic_0001>
#map = affine_map<(d0, d1) -> (0, 0)>
module attributes {stable_mosaic.version = 14 : i64} {
  func.func @_body(%arg0: i32, %arg1: i32, %arg2: memref<16384x1024xf32, #tpu.memory_space<hbm>>, %arg3: memref<128x1024xf32, #tpu.memory_space<hbm>>, %arg4: memref<16896x1024xf32, #tpu.memory_space<hbm>>, %arg5: memref<16x32xi32, #tpu.memory_space<vmem>>, %arg6: memref<32x1024xf32, #tpu.memory_space<vmem>>, %arg7: memref<32x1024xf32, #tpu.memory_space<vmem>>, %arg8: memref<16xi32, #tpu.memory_space<vmem>>, %arg9: memref<16xi32, #tpu.memory_space<vmem>>, %arg10: memref<16x1024xf32, #tpu.memory_space<vmem>>, %arg11: memref<!tpu.dma_semaphore, #tpu.memory_space<semaphore_mem>>, %arg12: memref<!tpu.dma_semaphore, #tpu.memory_space<semaphore_mem>>, %arg13: memref<!tpu.dma_semaphore, #tpu.memory_space<semaphore_mem>>, %arg14: memref<!tpu.dma_semaphore, #tpu.memory_space<semaphore_mem>>, %arg15: memref<!tpu.dma_semaphore, #tpu.memory_space<semaphore_mem>>) attributes {dimension_semantics = [#tpu.dimension_semantics<core_parallel>, #tpu.dimension_semantics<subcore_parallel>], iteration_bounds = array<i64: 2, 16>, scalar_prefetch = 0 : i64, scratch_operands = 11 : i64, tpu.core_type = #tpu.core_type<sc_vector_subcore>, window_params = [{transform_indices = #map}, {transform_indices = #map}, {transform_indices = #map}]} {
    %mul3A = arith.constant 2 : i32
    %mul3A_0 = arith.muli %arg1, %mul3A : i32
    %add3A = arith.addi %mul3A_0, %arg0 : i32
    %mul3A_1 = arith.constant 512 : i32
    %mul3A_2 = arith.muli %add3A, %mul3A_1 : i32
    %iota3A = tpu.iota {dimensions = array<i32: 0>} : vector<16xi32>
    %mul3A_3 = arith.constant 16 : i32
    %mul3A_4 = arith.muli %add3A, %mul3A_3 : i32
    %add3A_5 = vector.broadcast %mul3A_4 : i32 to vector<16xi32>
    %add3A_6 = arith.addi %add3A_5, %iota3A : vector<16xi32>
    %and3A = arith.constant 127 : i32
    %and3A_7 = vector.broadcast %and3A : i32 to vector<16xi32>
    %and3A_8 = arith.andi %add3A_6, %and3A_7 : vector<16xi32>
    %swap3A = arith.constant 0 : index
    %swap3A_9 = tpu.vector_load %arg8[%swap3A] {strides = array<i32>} : memref<16xi32, #tpu.memory_space<vmem>>, vector<16xi32>,
    %swap3A_10 = vector.shape_cast %swap3A_9 : vector<16xi32> to vector<16xi32>
    %swap3A_11 = vector.shape_cast %and3A_8 : vector<16xi32> to vector<16xi32>
    tpu.vector_store %arg8[%swap3A], %swap3A_11 {strides = array<i32>} : memref<16xi32, #tpu.memory_space<vmem>>, vector<16xi32>,
    %shift_right_arithmetic3A = arith.constant 7 : i32
    %shift_right_arithmetic3A_12 = vector.broadcast %shift_right_arithmetic3A : i32 to vector<16xi32>
    %shift_right_arithmetic3A_13 = arith.shrsi %add3A_6, %shift_right_arithmetic3A_12 : vector<16xi32>
    %mul3A_14 = arith.constant 4224 : i32
    %mul3A_15 = vector.broadcast %mul3A_14 : i32 to vector<16xi32>
    %mul3A_16 = arith.muli %shift_right_arithmetic3A_13, %mul3A_15 : vector<16xi32>
    %mul3A_17 = arith.constant 33 : i32
    %mul3A_18 = vector.broadcast %mul3A_17 : i32 to vector<16xi32>
    %mul3A_19 = arith.muli %mul3A_18, %and3A_8 : vector<16xi32>
    %add3A_20 = arith.addi %mul3A_16, %mul3A_19 : vector<16xi32>
    %mul3A_21 = arith.constant 32 : i32
    %mul3A_22 = vector.broadcast %mul3A_21 : i32 to vector<16xi32>
    %mul3A_23 = arith.muli %mul3A_22, %and3A_8 : vector<16xi32>
    %mul3A_24 = arith.constant 4129 : i32
    %mul3A_25 = vector.broadcast %mul3A_24 : i32 to vector<16xi32>
    %mul3A_26 = arith.muli %mul3A_23, %mul3A_25 : vector<16xi32>
    %shift_right_arithmetic3A_27 = arith.constant 19 : i32
    %shift_right_arithmetic3A_28 = vector.broadcast %shift_right_arithmetic3A_27 : i32 to vector<16xi32>
    %shift_right_arithmetic3A_29 = arith.shrsi %mul3A_26, %shift_right_arithmetic3A_28 : vector<16xi32>
    %add3A_30 = arith.addi %add3A_20, %shift_right_arithmetic3A_29 : vector<16xi32>
    %swap3A_31 = arith.constant 0 : index
    %swap3A_32 = tpu.vector_load %arg9[%swap3A_31] {strides = array<i32>} : memref<16xi32, #tpu.memory_space<vmem>>, vector<16xi32>,
    %swap3A_33 = vector.shape_cast %swap3A_32 : vector<16xi32> to vector<16xi32>
    %swap3A_34 = vector.shape_cast %add3A_30 : vector<16xi32> to vector<16xi32>
    tpu.vector_store %arg9[%swap3A_31], %swap3A_34 {strides = array<i32>} : memref<16xi32, #tpu.memory_space<vmem>>, vector<16xi32>,
    %dma_start3A = arith.constant 0 : i32
    %dma_start3A_35 = arith.constant 0 : i32
    %dma_start3A_36 = tpu.memref_slice %arg3[%dma_start3A, %dma_start3A_35] : memref<128x1024xf32, #tpu.memory_space<hbm>> -> memref<128x1024xf32, #tpu.memory_space<hbm>>
    tpu.enqueue_indirect_dma source(%dma_start3A_36 : memref<128x1024xf32, #tpu.memory_space<hbm>>) target(%arg10 : memref<16x1024xf32, #tpu.memory_space<vmem>>) offsets(%arg8 : memref<16xi32, #tpu.memory_space<vmem>>) semaphore(%arg15 : memref<!tpu.dma_semaphore, #tpu.memory_space<semaphore_mem>>)
    %add3A_37 = arith.constant 0 : i32
    %add3A_38 = arith.addi %mul3A_2, %add3A_37 : i32
    %dma_start3A_39 = arith.constant 0 : i32
    %dma_start3A_40 = tpu.memref_slice %arg2[%add3A_38, %dma_start3A_39] : memref<16384x1024xf32, #tpu.memory_space<hbm>> -> memref<32x1024xf32, #tpu.memory_space<hbm>>
    %dma_start3A_41 = arith.constant 0 : i32
    %dma_start3A_42 = tpu.memref_slice %arg2[%add3A_38, %dma_start3A_41] : memref<16384x1024xf32, #tpu.memory_space<hbm>> -> memref<32x1024xf32, #tpu.memory_space<hbm>>
    tpu.enqueue_dma source(%dma_start3A_42 : memref<32x1024xf32, #tpu.memory_space<hbm>>) target(%arg6 : memref<32x1024xf32, #tpu.memory_space<vmem>>) target_semaphore(%arg11 : memref<!tpu.dma_semaphore, #tpu.memory_space<semaphore_mem>>)
    %add3A_43 = arith.constant 32 : i32
    %add3A_44 = arith.addi %mul3A_2, %add3A_43 : i32
    %dma_start3A_45 = arith.constant 0 : i32
    %dma_start3A_46 = tpu.memref_slice %arg2[%add3A_44, %dma_start3A_45] : memref<16384x1024xf32, #tpu.memory_space<hbm>> -> memref<32x1024xf32, #tpu.memory_space<hbm>>
    %dma_start3A_47 = arith.constant 0 : i32
    %dma_start3A_48 = tpu.memref_slice %arg2[%add3A_44, %dma_start3A_47] : memref<16384x1024xf32, #tpu.memory_space<hbm>> -> memref<32x1024xf32, #tpu.memory_space<hbm>>
    tpu.enqueue_dma source(%dma_start3A_48 : memref<32x1024xf32, #tpu.memory_space<hbm>>) target(%arg7 : memref<32x1024xf32, #tpu.memory_space<vmem>>) target_semaphore(%arg12 : memref<!tpu.dma_semaphore, #tpu.memory_space<semaphore_mem>>)
    %add3A_49 = arith.constant 0 : i32
    %add3A_50 = arith.addi %mul3A_2, %add3A_49 : i32
    %add3A_51 = arith.constant 0 : i32
    %add3A_52 = arith.addi %add3A_50, %add3A_51 : i32
    %add3A_53 = vector.broadcast %add3A_52 : i32 to vector<16xi32>
    %add3A_54 = arith.addi %add3A_53, %iota3A : vector<16xi32>
    %and3A_55 = arith.constant 4095 : i32
    %and3A_56 = vector.broadcast %and3A_55 : i32 to vector<16xi32>
    %and3A_57 = arith.andi %add3A_54, %and3A_56 : vector<16xi32>
    %shift_right_arithmetic3A_58 = arith.constant 12 : i32
    %shift_right_arithmetic3A_59 = vector.broadcast %shift_right_arithmetic3A_58 : i32 to vector<16xi32>
    %shift_right_arithmetic3A_60 = arith.shrsi %add3A_54, %shift_right_arithmetic3A_59 : vector<16xi32>
    %shift_left3A = arith.constant 7 : i32
    %shift_left3A_61 = vector.broadcast %shift_left3A : i32 to vector<16xi32>
    %shift_left3A_62 = arith.shli %shift_right_arithmetic3A_60, %shift_left3A_61 : vector<16xi32>
    %add3A_63 = arith.addi %add3A_54, %shift_left3A_62 : vector<16xi32>
    %mul3A_64 = arith.constant 127 : i32
    %mul3A_65 = vector.broadcast %mul3A_64 : i32 to vector<16xi32>
    %mul3A_66 = arith.muli %mul3A_65, %and3A_57 : vector<16xi32>
    %add3A_67 = arith.constant 126 : i32
    %add3A_68 = vector.broadcast %add3A_67 : i32 to vector<16xi32>
    %add3A_69 = arith.addi %mul3A_66, %add3A_68 : vector<16xi32>
    %shift_right_arithmetic3A_70 = arith.constant 12 : i32
    %shift_right_arithmetic3A_71 = vector.broadcast %shift_right_arithmetic3A_70 : i32 to vector<16xi32>
    %shift_right_arithmetic3A_72 = arith.shrsi %add3A_69, %shift_right_arithmetic3A_71 : vector<16xi32>
    %add3A_73 = arith.addi %add3A_63, %shift_right_arithmetic3A_72 : vector<16xi32>
    %add3A_74 = arith.constant 1 : i32
    %add3A_75 = vector.broadcast %add3A_74 : i32 to vector<16xi32>
    %add3A_76 = arith.addi %add3A_73, %add3A_75 : vector<16xi32>
    %swap3A_77 = arith.constant 0 : i32
    %swap3A_78 = arith.index_cast %swap3A_77 : i32 to index
    %swap3A_79 = arith.constant 0 : index
    %swap3A_80 = tpu.vector_load %arg5[%swap3A_78, %swap3A_79] {strides = array<i32>} : memref<16x32xi32, #tpu.memory_space<vmem>>, vector<1x16xi32>,
    %swap3A_81 = vector.shape_cast %swap3A_80 : vector<1x16xi32> to vector<16xi32>
    %swap3A_82 = vector.shape_cast %add3A_76 : vector<16xi32> to vector<1x16xi32>
    tpu.vector_store %arg5[%swap3A_78, %swap3A_79], %swap3A_82 {strides = array<i32>} : memref<16x32xi32, #tpu.memory_space<vmem>>, vector<1x16xi32>,
    %add3A_83 = arith.constant 0 : i32
    %add3A_84 = arith.addi %mul3A_2, %add3A_83 : i32
    %add3A_85 = arith.constant 16 : i32
    %add3A_86 = arith.addi %add3A_84, %add3A_85 : i32
    %add3A_87 = vector.broadcast %add3A_86 : i32 to vector<16xi32>
    %add3A_88 = arith.addi %add3A_87, %iota3A : vector<16xi32>
    %and3A_89 = arith.constant 4095 : i32
    %and3A_90 = vector.broadcast %and3A_89 : i32 to vector<16xi32>
    %and3A_91 = arith.andi %add3A_88, %and3A_90 : vector<16xi32>
    %shift_right_arithmetic3A_92 = arith.constant 12 : i32
    %shift_right_arithmetic3A_93 = vector.broadcast %shift_right_arithmetic3A_92 : i32 to vector<16xi32>
    %shift_right_arithmetic3A_94 = arith.shrsi %add3A_88, %shift_right_arithmetic3A_93 : vector<16xi32>
    %shift_left3A_95 = arith.constant 7 : i32
    %shift_left3A_96 = vector.broadcast %shift_left3A_95 : i32 to vector<16xi32>
    %shift_left3A_97 = arith.shli %shift_right_arithmetic3A_94, %shift_left3A_96 : vector<16xi32>
    %add3A_98 = arith.addi %add3A_88, %shift_left3A_97 : vector<16xi32>
    %mul3A_99 = arith.constant 127 : i32
    %mul3A_100 = vector.broadcast %mul3A_99 : i32 to vector<16xi32>
    %mul3A_101 = arith.muli %mul3A_100, %and3A_91 : vector<16xi32>
    %add3A_102 = arith.constant 126 : i32
    %add3A_103 = vector.broadcast %add3A_102 : i32 to vector<16xi32>
    %add3A_104 = arith.addi %mul3A_101, %add3A_103 : vector<16xi32>
    %shift_right_arithmetic3A_105 = arith.constant 12 : i32
    %shift_right_arithmetic3A_106 = vector.broadcast %shift_right_arithmetic3A_105 : i32 to vector<16xi32>
    %shift_right_arithmetic3A_107 = arith.shrsi %add3A_104, %shift_right_arithmetic3A_106 : vector<16xi32>
    %add3A_108 = arith.addi %add3A_98, %shift_right_arithmetic3A_107 : vector<16xi32>
    %add3A_109 = arith.constant 1 : i32
    %add3A_110 = vector.broadcast %add3A_109 : i32 to vector<16xi32>
    %add3A_111 = arith.addi %add3A_108, %add3A_110 : vector<16xi32>
    %swap3A_112 = arith.constant 0 : i32
    %swap3A_113 = arith.index_cast %swap3A_112 : i32 to index
    %swap3A_114 = arith.constant 16 : index
    %swap3A_115 = tpu.vector_load %arg5[%swap3A_113, %swap3A_114] {strides = array<i32>} : memref<16x32xi32, #tpu.memory_space<vmem>>, vector<1x16xi32>,
    %swap3A_116 = vector.shape_cast %swap3A_115 : vector<1x16xi32> to vector<16xi32>
    %swap3A_117 = vector.shape_cast %add3A_111 : vector<16xi32> to vector<1x16xi32>
    tpu.vector_store %arg5[%swap3A_113, %swap3A_114], %swap3A_117 {strides = array<i32>} : memref<16x32xi32, #tpu.memory_space<vmem>>, vector<1x16xi32>,
    %add3A_118 = arith.constant 32 : i32
    %add3A_119 = arith.addi %mul3A_2, %add3A_118 : i32
    %add3A_120 = arith.constant 0 : i32
    %add3A_121 = arith.addi %add3A_119, %add3A_120 : i32
    %add3A_122 = vector.broadcast %add3A_121 : i32 to vector<16xi32>
    %add3A_123 = arith.addi %add3A_122, %iota3A : vector<16xi32>
    %and3A_124 = arith.constant 4095 : i32
    %and3A_125 = vector.broadcast %and3A_124 : i32 to vector<16xi32>
    %and3A_126 = arith.andi %add3A_123, %and3A_125 : vector<16xi32>
    %shift_right_arithmetic3A_127 = arith.constant 12 : i32
    %shift_right_arithmetic3A_128 = vector.broadcast %shift_right_arithmetic3A_127 : i32 to vector<16xi32>
    %shift_right_arithmetic3A_129 = arith.shrsi %add3A_123, %shift_right_arithmetic3A_128 : vector<16xi32>
    %shift_left3A_130 = arith.constant 7 : i32
    %shift_left3A_131 = vector.broadcast %shift_left3A_130 : i32 to vector<16xi32>
    %shift_left3A_132 = arith.shli %shift_right_arithmetic3A_129, %shift_left3A_131 : vector<16xi32>
    %add3A_133 = arith.addi %add3A_123, %shift_left3A_132 : vector<16xi32>
    %mul3A_134 = arith.constant 127 : i32
    %mul3A_135 = vector.broadcast %mul3A_134 : i32 to vector<16xi32>
    %mul3A_136 = arith.muli %mul3A_135, %and3A_126 : vector<16xi32>
    %add3A_137 = arith.constant 126 : i32
    %add3A_138 = vector.broadcast %add3A_137 : i32 to vector<16xi32>
    %add3A_139 = arith.addi %mul3A_136, %add3A_138 : vector<16xi32>
    %shift_right_arithmetic3A_140 = arith.constant 12 : i32
    %shift_right_arithmetic3A_141 = vector.broadcast %shift_right_arithmetic3A_140 : i32 to vector<16xi32>
    %shift_right_arithmetic3A_142 = arith.shrsi %add3A_139, %shift_right_arithmetic3A_141 : vector<16xi32>
    %add3A_143 = arith.addi %add3A_133, %shift_right_arithmetic3A_142 : vector<16xi32>
    %add3A_144 = arith.constant 1 : i32
    %add3A_145 = vector.broadcast %add3A_144 : i32 to vector<16xi32>
    %add3A_146 = arith.addi %add3A_143, %add3A_145 : vector<16xi32>
    %swap3A_147 = arith.constant 1 : i32
    %swap3A_148 = arith.index_cast %swap3A_147 : i32 to index
    %swap3A_149 = arith.constant 0 : index
    %swap3A_150 = tpu.vector_load %arg5[%swap3A_148, %swap3A_149] {strides = array<i32>} : memref<16x32xi32, #tpu.memory_space<vmem>>, vector<1x16xi32>,
    %swap3A_151 = vector.shape_cast %swap3A_150 : vector<1x16xi32> to vector<16xi32>
    %swap3A_152 = vector.shape_cast %add3A_146 : vector<16xi32> to vector<1x16xi32>
    tpu.vector_store %arg5[%swap3A_148, %swap3A_149], %swap3A_152 {strides = array<i32>} : memref<16x32xi32, #tpu.memory_space<vmem>>, vector<1x16xi32>,
    %add3A_153 = arith.constant 32 : i32
    %add3A_154 = arith.addi %mul3A_2, %add3A_153 : i32
    %add3A_155 = arith.constant 16 : i32
    %add3A_156 = arith.addi %add3A_154, %add3A_155 : i32
    %add3A_157 = vector.broadcast %add3A_156 : i32 to vector<16xi32>
    %add3A_158 = arith.addi %add3A_157, %iota3A : vector<16xi32>
    %and3A_159 = arith.constant 4095 : i32
    %and3A_160 = vector.broadcast %and3A_159 : i32 to vector<16xi32>
    %and3A_161 = arith.andi %add3A_158, %and3A_160 : vector<16xi32>
    %shift_right_arithmetic3A_162 = arith.constant 12 : i32
    %shift_right_arithmetic3A_163 = vector.broadcast %shift_right_arithmetic3A_162 : i32 to vector<16xi32>
    %shift_right_arithmetic3A_164 = arith.shrsi %add3A_158, %shift_right_arithmetic3A_163 : vector<16xi32>
    %shift_left3A_165 = arith.constant 7 : i32
    %shift_left3A_166 = vector.broadcast %shift_left3A_165 : i32 to vector<16xi32>
    %shift_left3A_167 = arith.shli %shift_right_arithmetic3A_164, %shift_left3A_166 : vector<16xi32>
    %add3A_168 = arith.addi %add3A_158, %shift_left3A_167 : vector<16xi32>
    %mul3A_169 = arith.constant 127 : i32
    %mul3A_170 = vector.broadcast %mul3A_169 : i32 to vector<16xi32>
    %mul3A_171 = arith.muli %mul3A_170, %and3A_161 : vector<16xi32>
    %add3A_172 = arith.constant 126 : i32
    %add3A_173 = vector.broadcast %add3A_172 : i32 to vector<16xi32>
    %add3A_174 = arith.addi %mul3A_171, %add3A_173 : vector<16xi32>
    %shift_right_arithmetic3A_175 = arith.constant 12 : i32
    %shift_right_arithmetic3A_176 = vector.broadcast %shift_right_arithmetic3A_175 : i32 to vector<16xi32>
    %shift_right_arithmetic3A_177 = arith.shrsi %add3A_174, %shift_right_arithmetic3A_176 : vector<16xi32>
    %add3A_178 = arith.addi %add3A_168, %shift_right_arithmetic3A_177 : vector<16xi32>
    %add3A_179 = arith.constant 1 : i32
    %add3A_180 = vector.broadcast %add3A_179 : i32 to vector<16xi32>
    %add3A_181 = arith.addi %add3A_178, %add3A_180 : vector<16xi32>
    %swap3A_182 = arith.constant 1 : i32
    %swap3A_183 = arith.index_cast %swap3A_182 : i32 to index
    %swap3A_184 = arith.constant 16 : index
    %swap3A_185 = tpu.vector_load %arg5[%swap3A_183, %swap3A_184] {strides = array<i32>} : memref<16x32xi32, #tpu.memory_space<vmem>>, vector<1x16xi32>,
    %swap3A_186 = vector.shape_cast %swap3A_185 : vector<1x16xi32> to vector<16xi32>
    %swap3A_187 = vector.shape_cast %add3A_181 : vector<16xi32> to vector<1x16xi32>
    tpu.vector_store %arg5[%swap3A_183, %swap3A_184], %swap3A_187 {strides = array<i32>} : memref<16x32xi32, #tpu.memory_space<vmem>>, vector<1x16xi32>,
    %add3A_188 = arith.constant 64 : i32
    %add3A_189 = arith.addi %mul3A_2, %add3A_188 : i32
    %add3A_190 = arith.constant 0 : i32
    %add3A_191 = arith.addi %add3A_189, %add3A_190 : i32
    %add3A_192 = vector.broadcast %add3A_191 : i32 to vector<16xi32>
    %add3A_193 = arith.addi %add3A_192, %iota3A : vector<16xi32>
    %and3A_194 = arith.constant 4095 : i32
    %and3A_195 = vector.broadcast %and3A_194 : i32 to vector<16xi32>
    %and3A_196 = arith.andi %add3A_193, %and3A_195 : vector<16xi32>
    %shift_right_arithmetic3A_197 = arith.constant 12 : i32
    %shift_right_arithmetic3A_198 = vector.broadcast %shift_right_arithmetic3A_197 : i32 to vector<16xi32>
    %shift_right_arithmetic3A_199 = arith.shrsi %add3A_193, %shift_right_arithmetic3A_198 : vector<16xi32>
    %shift_left3A_200 = arith.constant 7 : i32
    %shift_left3A_201 = vector.broadcast %shift_left3A_200 : i32 to vector<16xi32>
    %shift_left3A_202 = arith.shli %shift_right_arithmetic3A_199, %shift_left3A_201 : vector<16xi32>
    %add3A_203 = arith.addi %add3A_193, %shift_left3A_202 : vector<16xi32>
    %mul3A_204 = arith.constant 127 : i32
    %mul3A_205 = vector.broadcast %mul3A_204 : i32 to vector<16xi32>
    %mul3A_206 = arith.muli %mul3A_205, %and3A_196 : vector<16xi32>
    %add3A_207 = arith.constant 126 : i32
    %add3A_208 = vector.broadcast %add3A_207 : i32 to vector<16xi32>
    %add3A_209 = arith.addi %mul3A_206, %add3A_208 : vector<16xi32>
    %shift_right_arithmetic3A_210 = arith.constant 12 : i32
    %shift_right_arithmetic3A_211 = vector.broadcast %shift_right_arithmetic3A_210 : i32 to vector<16xi32>
    %shift_right_arithmetic3A_212 = arith.shrsi %add3A_209, %shift_right_arithmetic3A_211 : vector<16xi32>
    %add3A_213 = arith.addi %add3A_203, %shift_right_arithmetic3A_212 : vector<16xi32>
    %add3A_214 = arith.constant 1 : i32
    %add3A_215 = vector.broadcast %add3A_214 : i32 to vector<16xi32>
    %add3A_216 = arith.addi %add3A_213, %add3A_215 : vector<16xi32>
    %swap3A_217 = arith.constant 2 : i32
    %swap3A_218 = arith.index_cast %swap3A_217 : i32 to index
    %swap3A_219 = arith.constant 0 : index
    %swap3A_220 = tpu.vector_load %arg5[%swap3A_218, %swap3A_219] {strides = array<i32>} : memref<16x32xi32, #tpu.memory_space<vmem>>, vector<1x16xi32>,
    %swap3A_221 = vector.shape_cast %swap3A_220 : vector<1x16xi32> to vector<16xi32>
    %swap3A_222 = vector.shape_cast %add3A_216 : vector<16xi32> to vector<1x16xi32>
    tpu.vector_store %arg5[%swap3A_218, %swap3A_219], %swap3A_222 {strides = array<i32>} : memref<16x32xi32, #tpu.memory_space<vmem>>, vector<1x16xi32>,
    %add3A_223 = arith.constant 64 : i32
    %add3A_224 = arith.addi %mul3A_2, %add3A_223 : i32
    %add3A_225 = arith.constant 16 : i32
    %add3A_226 = arith.addi %add3A_224, %add3A_225 : i32
    %add3A_227 = vector.broadcast %add3A_226 : i32 to vector<16xi32>
    %add3A_228 = arith.addi %add3A_227, %iota3A : vector<16xi32>
    %and3A_229 = arith.constant 4095 : i32
    %and3A_230 = vector.broadcast %and3A_229 : i32 to vector<16xi32>
    %and3A_231 = arith.andi %add3A_228, %and3A_230 : vector<16xi32>
    %shift_right_arithmetic3A_232 = arith.constant 12 : i32
    %shift_right_arithmetic3A_233 = vector.broadcast %shift_right_arithmetic3A_232 : i32 to vector<16xi32>
    %shift_right_arithmetic3A_234 = arith.shrsi %add3A_228, %shift_right_arithmetic3A_233 : vector<16xi32>
    %shift_left3A_235 = arith.constant 7 : i32
    %shift_left3A_236 = vector.broadcast %shift_left3A_235 : i32 to vector<16xi32>
    %shift_left3A_237 = arith.shli %shift_right_arithmetic3A_234, %shift_left3A_236 : vector<16xi32>
    %add3A_238 = arith.addi %add3A_228, %shift_left3A_237 : vector<16xi32>
    %mul3A_239 = arith.constant 127 : i32
    %mul3A_240 = vector.broadcast %mul3A_239 : i32 to vector<16xi32>
    %mul3A_241 = arith.muli %mul3A_240, %and3A_231 : vector<16xi32>
    %add3A_242 = arith.constant 126 : i32
    %add3A_243 = vector.broadcast %add3A_242 : i32 to vector<16xi32>
    %add3A_244 = arith.addi %mul3A_241, %add3A_243 : vector<16xi32>
    %shift_right_arithmetic3A_245 = arith.constant 12 : i32
    %shift_right_arithmetic3A_246 = vector.broadcast %shift_right_arithmetic3A_245 : i32 to vector<16xi32>
    %shift_right_arithmetic3A_247 = arith.shrsi %add3A_244, %shift_right_arithmetic3A_246 : vector<16xi32>
    %add3A_248 = arith.addi %add3A_238, %shift_right_arithmetic3A_247 : vector<16xi32>
    %add3A_249 = arith.constant 1 : i32
    %add3A_250 = vector.broadcast %add3A_249 : i32 to vector<16xi32>
    %add3A_251 = arith.addi %add3A_248, %add3A_250 : vector<16xi32>
    %swap3A_252 = arith.constant 2 : i32
    %swap3A_253 = arith.index_cast %swap3A_252 : i32 to index
    %swap3A_254 = arith.constant 16 : index
    %swap3A_255 = tpu.vector_load %arg5[%swap3A_253, %swap3A_254] {strides = array<i32>} : memref<16x32xi32, #tpu.memory_space<vmem>>, vector<1x16xi32>,
    %swap3A_256 = vector.shape_cast %swap3A_255 : vector<1x16xi32> to vector<16xi32>
    %swap3A_257 = vector.shape_cast %add3A_251 : vector<16xi32> to vector<1x16xi32>
    tpu.vector_store %arg5[%swap3A_253, %swap3A_254], %swap3A_257 {strides = array<i32>} : memref<16x32xi32, #tpu.memory_space<vmem>>, vector<1x16xi32>,
    %add3A_258 = arith.constant 96 : i32
    %add3A_259 = arith.addi %mul3A_2, %add3A_258 : i32
    %add3A_260 = arith.constant 0 : i32
    %add3A_261 = arith.addi %add3A_259, %add3A_260 : i32
    %add3A_262 = vector.broadcast %add3A_261 : i32 to vector<16xi32>
    %add3A_263 = arith.addi %add3A_262, %iota3A : vector<16xi32>
    %and3A_264 = arith.constant 4095 : i32
    %and3A_265 = vector.broadcast %and3A_264 : i32 to vector<16xi32>
    %and3A_266 = arith.andi %add3A_263, %and3A_265 : vector<16xi32>
    %shift_right_arithmetic3A_267 = arith.constant 12 : i32
    %shift_right_arithmetic3A_268 = vector.broadcast %shift_right_arithmetic3A_267 : i32 to vector<16xi32>
    %shift_right_arithmetic3A_269 = arith.shrsi %add3A_263, %shift_right_arithmetic3A_268 : vector<16xi32>
    %shift_left3A_270 = arith.constant 7 : i32
    %shift_left3A_271 = vector.broadcast %shift_left3A_270 : i32 to vector<16xi32>
    %shift_left3A_272 = arith.shli %shift_right_arithmetic3A_269, %shift_left3A_271 : vector<16xi32>
    %add3A_273 = arith.addi %add3A_263, %shift_left3A_272 : vector<16xi32>
    %mul3A_274 = arith.constant 127 : i32
    %mul3A_275 = vector.broadcast %mul3A_274 : i32 to vector<16xi32>
    %mul3A_276 = arith.muli %mul3A_275, %and3A_266 : vector<16xi32>
    %add3A_277 = arith.constant 126 : i32
    %add3A_278 = vector.broadcast %add3A_277 : i32 to vector<16xi32>
    %add3A_279 = arith.addi %mul3A_276, %add3A_278 : vector<16xi32>
    %shift_right_arithmetic3A_280 = arith.constant 12 : i32
    %shift_right_arithmetic3A_281 = vector.broadcast %shift_right_arithmetic3A_280 : i32 to vector<16xi32>
    %shift_right_arithmetic3A_282 = arith.shrsi %add3A_279, %shift_right_arithmetic3A_281 : vector<16xi32>
    %add3A_283 = arith.addi %add3A_273, %shift_right_arithmetic3A_282 : vector<16xi32>
    %add3A_284 = arith.constant 1 : i32
    %add3A_285 = vector.broadcast %add3A_284 : i32 to vector<16xi32>
    %add3A_286 = arith.addi %add3A_283, %add3A_285 : vector<16xi32>
    %swap3A_287 = arith.constant 3 : i32
    %swap3A_288 = arith.index_cast %swap3A_287 : i32 to index
    %swap3A_289 = arith.constant 0 : index
    %swap3A_290 = tpu.vector_load %arg5[%swap3A_288, %swap3A_289] {strides = array<i32>} : memref<16x32xi32, #tpu.memory_space<vmem>>, vector<1x16xi32>,
    %swap3A_291 = vector.shape_cast %swap3A_290 : vector<1x16xi32> to vector<16xi32>
    %swap3A_292 = vector.shape_cast %add3A_286 : vector<16xi32> to vector<1x16xi32>
    tpu.vector_store %arg5[%swap3A_288, %swap3A_289], %swap3A_292 {strides = array<i32>} : memref<16x32xi32, #tpu.memory_space<vmem>>, vector<1x16xi32>,
    %add3A_293 = arith.constant 96 : i32
    %add3A_294 = arith.addi %mul3A_2, %add3A_293 : i32
    %add3A_295 = arith.constant 16 : i32
    %add3A_296 = arith.addi %add3A_294, %add3A_295 : i32
    %add3A_297 = vector.broadcast %add3A_296 : i32 to vector<16xi32>
    %add3A_298 = arith.addi %add3A_297, %iota3A : vector<16xi32>
    %and3A_299 = arith.constant 4095 : i32
    %and3A_300 = vector.broadcast %and3A_299 : i32 to vector<16xi32>
    %and3A_301 = arith.andi %add3A_298, %and3A_300 : vector<16xi32>
    %shift_right_arithmetic3A_302 = arith.constant 12 : i32
    %shift_right_arithmetic3A_303 = vector.broadcast %shift_right_arithmetic3A_302 : i32 to vector<16xi32>
    %shift_right_arithmetic3A_304 = arith.shrsi %add3A_298, %shift_right_arithmetic3A_303 : vector<16xi32>
    %shift_left3A_305 = arith.constant 7 : i32
    %shift_left3A_306 = vector.broadcast %shift_left3A_305 : i32 to vector<16xi32>
    %shift_left3A_307 = arith.shli %shift_right_arithmetic3A_304, %shift_left3A_306 : vector<16xi32>
    %add3A_308 = arith.addi %add3A_298, %shift_left3A_307 : vector<16xi32>
    %mul3A_309 = arith.constant 127 : i32
    %mul3A_310 = vector.broadcast %mul3A_309 : i32 to vector<16xi32>
    %mul3A_311 = arith.muli %mul3A_310, %and3A_301 : vector<16xi32>
    %add3A_312 = arith.constant 126 : i32
    %add3A_313 = vector.broadcast %add3A_312 : i32 to vector<16xi32>
    %add3A_314 = arith.addi %mul3A_311, %add3A_313 : vector<16xi32>
    %shift_right_arithmetic3A_315 = arith.constant 12 : i32
    %shift_right_arithmetic3A_316 = vector.broadcast %shift_right_arithmetic3A_315 : i32 to vector<16xi32>
    %shift_right_arithmetic3A_317 = arith.shrsi %add3A_314, %shift_right_arithmetic3A_316 : vector<16xi32>
    %add3A_318 = arith.addi %add3A_308, %shift_right_arithmetic3A_317 : vector<16xi32>
    %add3A_319 = arith.constant 1 : i32
    %add3A_320 = vector.broadcast %add3A_319 : i32 to vector<16xi32>
    %add3A_321 = arith.addi %add3A_318, %add3A_320 : vector<16xi32>
    %swap3A_322 = arith.constant 3 : i32
    %swap3A_323 = arith.index_cast %swap3A_322 : i32 to index
    %swap3A_324 = arith.constant 16 : index
    %swap3A_325 = tpu.vector_load %arg5[%swap3A_323, %swap3A_324] {strides = array<i32>} : memref<16x32xi32, #tpu.memory_space<vmem>>, vector<1x16xi32>,
    %swap3A_326 = vector.shape_cast %swap3A_325 : vector<1x16xi32> to vector<16xi32>
    %swap3A_327 = vector.shape_cast %add3A_321 : vector<16xi32> to vector<1x16xi32>
    tpu.vector_store %arg5[%swap3A_323, %swap3A_324], %swap3A_327 {strides = array<i32>} : memref<16x32xi32, #tpu.memory_space<vmem>>, vector<1x16xi32>,
    %add3A_328 = arith.constant 128 : i32
    %add3A_329 = arith.addi %mul3A_2, %add3A_328 : i32
    %add3A_330 = arith.constant 0 : i32
    %add3A_331 = arith.addi %add3A_329, %add3A_330 : i32
    %add3A_332 = vector.broadcast %add3A_331 : i32 to vector<16xi32>
    %add3A_333 = arith.addi %add3A_332, %iota3A : vector<16xi32>
    %and3A_334 = arith.constant 4095 : i32
    %and3A_335 = vector.broadcast %and3A_334 : i32 to vector<16xi32>
    %and3A_336 = arith.andi %add3A_333, %and3A_335 : vector<16xi32>
    %shift_right_arithmetic3A_337 = arith.constant 12 : i32
    %shift_right_arithmetic3A_338 = vector.broadcast %shift_right_arithmetic3A_337 : i32 to vector<16xi32>
    %shift_right_arithmetic3A_339 = arith.shrsi %add3A_333, %shift_right_arithmetic3A_338 : vector<16xi32>
    %shift_left3A_340 = arith.constant 7 : i32
    %shift_left3A_341 = vector.broadcast %shift_left3A_340 : i32 to vector<16xi32>
    %shift_left3A_342 = arith.shli %shift_right_arithmetic3A_339, %shift_left3A_341 : vector<16xi32>
    %add3A_343 = arith.addi %add3A_333, %shift_left3A_342 : vector<16xi32>
    %mul3A_344 = arith.constant 127 : i32
    %mul3A_345 = vector.broadcast %mul3A_344 : i32 to vector<16xi32>
    %mul3A_346 = arith.muli %mul3A_345, %and3A_336 : vector<16xi32>
    %add3A_347 = arith.constant 126 : i32
    %add3A_348 = vector.broadcast %add3A_347 : i32 to vector<16xi32>
    %add3A_349 = arith.addi %mul3A_346, %add3A_348 : vector<16xi32>
    %shift_right_arithmetic3A_350 = arith.constant 12 : i32
    %shift_right_arithmetic3A_351 = vector.broadcast %shift_right_arithmetic3A_350 : i32 to vector<16xi32>
    %shift_right_arithmetic3A_352 = arith.shrsi %add3A_349, %shift_right_arithmetic3A_351 : vector<16xi32>
    %add3A_353 = arith.addi %add3A_343, %shift_right_arithmetic3A_352 : vector<16xi32>
    %add3A_354 = arith.constant 1 : i32
    %add3A_355 = vector.broadcast %add3A_354 : i32 to vector<16xi32>
    %add3A_356 = arith.addi %add3A_353, %add3A_355 : vector<16xi32>
    %swap3A_357 = arith.constant 4 : i32
    %swap3A_358 = arith.index_cast %swap3A_357 : i32 to index
    %swap3A_359 = arith.constant 0 : index
    %swap3A_360 = tpu.vector_load %arg5[%swap3A_358, %swap3A_359] {strides = array<i32>} : memref<16x32xi32, #tpu.memory_space<vmem>>, vector<1x16xi32>,
    %swap3A_361 = vector.shape_cast %swap3A_360 : vector<1x16xi32> to vector<16xi32>
    %swap3A_362 = vector.shape_cast %add3A_356 : vector<16xi32> to vector<1x16xi32>
    tpu.vector_store %arg5[%swap3A_358, %swap3A_359], %swap3A_362 {strides = array<i32>} : memref<16x32xi32, #tpu.memory_space<vmem>>, vector<1x16xi32>,
    %add3A_363 = arith.constant 128 : i32
    %add3A_364 = arith.addi %mul3A_2, %add3A_363 : i32
    %add3A_365 = arith.constant 16 : i32
    %add3A_366 = arith.addi %add3A_364, %add3A_365 : i32
    %add3A_367 = vector.broadcast %add3A_366 : i32 to vector<16xi32>
    %add3A_368 = arith.addi %add3A_367, %iota3A : vector<16xi32>
    %and3A_369 = arith.constant 4095 : i32
    %and3A_370 = vector.broadcast %and3A_369 : i32 to vector<16xi32>
    %and3A_371 = arith.andi %add3A_368, %and3A_370 : vector<16xi32>
    %shift_right_arithmetic3A_372 = arith.constant 12 : i32
    %shift_right_arithmetic3A_373 = vector.broadcast %shift_right_arithmetic3A_372 : i32 to vector<16xi32>
    %shift_right_arithmetic3A_374 = arith.shrsi %add3A_368, %shift_right_arithmetic3A_373 : vector<16xi32>
    %shift_left3A_375 = arith.constant 7 : i32
    %shift_left3A_376 = vector.broadcast %shift_left3A_375 : i32 to vector<16xi32>
    %shift_left3A_377 = arith.shli %shift_right_arithmetic3A_374, %shift_left3A_376 : vector<16xi32>
    %add3A_378 = arith.addi %add3A_368, %shift_left3A_377 : vector<16xi32>
    %mul3A_379 = arith.constant 127 : i32
    %mul3A_380 = vector.broadcast %mul3A_379 : i32 to vector<16xi32>
    %mul3A_381 = arith.muli %mul3A_380, %and3A_371 : vector<16xi32>
    %add3A_382 = arith.constant 126 : i32
    %add3A_383 = vector.broadcast %add3A_382 : i32 to vector<16xi32>
    %add3A_384 = arith.addi %mul3A_381, %add3A_383 : vector<16xi32>
    %shift_right_arithmetic3A_385 = arith.constant 12 : i32
    %shift_right_arithmetic3A_386 = vector.broadcast %shift_right_arithmetic3A_385 : i32 to vector<16xi32>
    %shift_right_arithmetic3A_387 = arith.shrsi %add3A_384, %shift_right_arithmetic3A_386 : vector<16xi32>
    %add3A_388 = arith.addi %add3A_378, %shift_right_arithmetic3A_387 : vector<16xi32>
    %add3A_389 = arith.constant 1 : i32
    %add3A_390 = vector.broadcast %add3A_389 : i32 to vector<16xi32>
    %add3A_391 = arith.addi %add3A_388, %add3A_390 : vector<16xi32>
    %swap3A_392 = arith.constant 4 : i32
    %swap3A_393 = arith.index_cast %swap3A_392 : i32 to index
    %swap3A_394 = arith.constant 16 : index
    %swap3A_395 = tpu.vector_load %arg5[%swap3A_393, %swap3A_394] {strides = array<i32>} : memref<16x32xi32, #tpu.memory_space<vmem>>, vector<1x16xi32>,
    %swap3A_396 = vector.shape_cast %swap3A_395 : vector<1x16xi32> to vector<16xi32>
    %swap3A_397 = vector.shape_cast %add3A_391 : vector<16xi32> to vector<1x16xi32>
    tpu.vector_store %arg5[%swap3A_393, %swap3A_394], %swap3A_397 {strides = array<i32>} : memref<16x32xi32, #tpu.memory_space<vmem>>, vector<1x16xi32>,
    %add3A_398 = arith.constant 160 : i32
    %add3A_399 = arith.addi %mul3A_2, %add3A_398 : i32
    %add3A_400 = arith.constant 0 : i32
    %add3A_401 = arith.addi %add3A_399, %add3A_400 : i32
    %add3A_402 = vector.broadcast %add3A_401 : i32 to vector<16xi32>
    %add3A_403 = arith.addi %add3A_402, %iota3A : vector<16xi32>
    %and3A_404 = arith.constant 4095 : i32
    %and3A_405 = vector.broadcast %and3A_404 : i32 to vector<16xi32>
    %and3A_406 = arith.andi %add3A_403, %and3A_405 : vector<16xi32>
    %shift_right_arithmetic3A_407 = arith.constant 12 : i32
    %shift_right_arithmetic3A_408 = vector.broadcast %shift_right_arithmetic3A_407 : i32 to vector<16xi32>
    %shift_right_arithmetic3A_409 = arith.shrsi %add3A_403, %shift_right_arithmetic3A_408 : vector<16xi32>
    %shift_left3A_410 = arith.constant 7 : i32
    %shift_left3A_411 = vector.broadcast %shift_left3A_410 : i32 to vector<16xi32>
    %shift_left3A_412 = arith.shli %shift_right_arithmetic3A_409, %shift_left3A_411 : vector<16xi32>
    %add3A_413 = arith.addi %add3A_403, %shift_left3A_412 : vector<16xi32>
    %mul3A_414 = arith.constant 127 : i32
    %mul3A_415 = vector.broadcast %mul3A_414 : i32 to vector<16xi32>
    %mul3A_416 = arith.muli %mul3A_415, %and3A_406 : vector<16xi32>
    %add3A_417 = arith.constant 126 : i32
    %add3A_418 = vector.broadcast %add3A_417 : i32 to vector<16xi32>
    %add3A_419 = arith.addi %mul3A_416, %add3A_418 : vector<16xi32>
    %shift_right_arithmetic3A_420 = arith.constant 12 : i32
    %shift_right_arithmetic3A_421 = vector.broadcast %shift_right_arithmetic3A_420 : i32 to vector<16xi32>
    %shift_right_arithmetic3A_422 = arith.shrsi %add3A_419, %shift_right_arithmetic3A_421 : vector<16xi32>
    %add3A_423 = arith.addi %add3A_413, %shift_right_arithmetic3A_422 : vector<16xi32>
    %add3A_424 = arith.constant 1 : i32
    %add3A_425 = vector.broadcast %add3A_424 : i32 to vector<16xi32>
    %add3A_426 = arith.addi %add3A_423, %add3A_425 : vector<16xi32>
    %swap3A_427 = arith.constant 5 : i32
    %swap3A_428 = arith.index_cast %swap3A_427 : i32 to index
    %swap3A_429 = arith.constant 0 : index
    %swap3A_430 = tpu.vector_load %arg5[%swap3A_428, %swap3A_429] {strides = array<i32>} : memref<16x32xi32, #tpu.memory_space<vmem>>, vector<1x16xi32>,
    %swap3A_431 = vector.shape_cast %swap3A_430 : vector<1x16xi32> to vector<16xi32>
    %swap3A_432 = vector.shape_cast %add3A_426 : vector<16xi32> to vector<1x16xi32>
    tpu.vector_store %arg5[%swap3A_428, %swap3A_429], %swap3A_432 {strides = array<i32>} : memref<16x32xi32, #tpu.memory_space<vmem>>, vector<1x16xi32>,
    %add3A_433 = arith.constant 160 : i32
    %add3A_434 = arith.addi %mul3A_2, %add3A_433 : i32
    %add3A_435 = arith.constant 16 : i32
    %add3A_436 = arith.addi %add3A_434, %add3A_435 : i32
    %add3A_437 = vector.broadcast %add3A_436 : i32 to vector<16xi32>
    %add3A_438 = arith.addi %add3A_437, %iota3A : vector<16xi32>
    %and3A_439 = arith.constant 4095 : i32
    %and3A_440 = vector.broadcast %and3A_439 : i32 to vector<16xi32>
    %and3A_441 = arith.andi %add3A_438, %and3A_440 : vector<16xi32>
    %shift_right_arithmetic3A_442 = arith.constant 12 : i32
    %shift_right_arithmetic3A_443 = vector.broadcast %shift_right_arithmetic3A_442 : i32 to vector<16xi32>
    %shift_right_arithmetic3A_444 = arith.shrsi %add3A_438, %shift_right_arithmetic3A_443 : vector<16xi32>
    %shift_left3A_445 = arith.constant 7 : i32
    %shift_left3A_446 = vector.broadcast %shift_left3A_445 : i32 to vector<16xi32>
    %shift_left3A_447 = arith.shli %shift_right_arithmetic3A_444, %shift_left3A_446 : vector<16xi32>
    %add3A_448 = arith.addi %add3A_438, %shift_left3A_447 : vector<16xi32>
    %mul3A_449 = arith.constant 127 : i32
    %mul3A_450 = vector.broadcast %mul3A_449 : i32 to vector<16xi32>
    %mul3A_451 = arith.muli %mul3A_450, %and3A_441 : vector<16xi32>
    %add3A_452 = arith.constant 126 : i32
    %add3A_453 = vector.broadcast %add3A_452 : i32 to vector<16xi32>
    %add3A_454 = arith.addi %mul3A_451, %add3A_453 : vector<16xi32>
    %shift_right_arithmetic3A_455 = arith.constant 12 : i32
    %shift_right_arithmetic3A_456 = vector.broadcast %shift_right_arithmetic3A_455 : i32 to vector<16xi32>
    %shift_right_arithmetic3A_457 = arith.shrsi %add3A_454, %shift_right_arithmetic3A_456 : vector<16xi32>
    %add3A_458 = arith.addi %add3A_448, %shift_right_arithmetic3A_457 : vector<16xi32>
    %add3A_459 = arith.constant 1 : i32
    %add3A_460 = vector.broadcast %add3A_459 : i32 to vector<16xi32>
    %add3A_461 = arith.addi %add3A_458, %add3A_460 : vector<16xi32>
    %swap3A_462 = arith.constant 5 : i32
    %swap3A_463 = arith.index_cast %swap3A_462 : i32 to index
    %swap3A_464 = arith.constant 16 : index
    %swap3A_465 = tpu.vector_load %arg5[%swap3A_463, %swap3A_464] {strides = array<i32>} : memref<16x32xi32, #tpu.memory_space<vmem>>, vector<1x16xi32>,
    %swap3A_466 = vector.shape_cast %swap3A_465 : vector<1x16xi32> to vector<16xi32>
    %swap3A_467 = vector.shape_cast %add3A_461 : vector<16xi32> to vector<1x16xi32>
    tpu.vector_store %arg5[%swap3A_463, %swap3A_464], %swap3A_467 {strides = array<i32>} : memref<16x32xi32, #tpu.memory_space<vmem>>, vector<1x16xi32>,
    %add3A_468 = arith.constant 192 : i32
    %add3A_469 = arith.addi %mul3A_2, %add3A_468 : i32
    %add3A_470 = arith.constant 0 : i32
    %add3A_471 = arith.addi %add3A_469, %add3A_470 : i32
    %add3A_472 = vector.broadcast %add3A_471 : i32 to vector<16xi32>
    %add3A_473 = arith.addi %add3A_472, %iota3A : vector<16xi32>
    %and3A_474 = arith.constant 4095 : i32
    %and3A_475 = vector.broadcast %and3A_474 : i32 to vector<16xi32>
    %and3A_476 = arith.andi %add3A_473, %and3A_475 : vector<16xi32>
    %shift_right_arithmetic3A_477 = arith.constant 12 : i32
    %shift_right_arithmetic3A_478 = vector.broadcast %shift_right_arithmetic3A_477 : i32 to vector<16xi32>
    %shift_right_arithmetic3A_479 = arith.shrsi %add3A_473, %shift_right_arithmetic3A_478 : vector<16xi32>
    %shift_left3A_480 = arith.constant 7 : i32
    %shift_left3A_481 = vector.broadcast %shift_left3A_480 : i32 to vector<16xi32>
    %shift_left3A_482 = arith.shli %shift_right_arithmetic3A_479, %shift_left3A_481 : vector<16xi32>
    %add3A_483 = arith.addi %add3A_473, %shift_left3A_482 : vector<16xi32>
    %mul3A_484 = arith.constant 127 : i32
    %mul3A_485 = vector.broadcast %mul3A_484 : i32 to vector<16xi32>
    %mul3A_486 = arith.muli %mul3A_485, %and3A_476 : vector<16xi32>
    %add3A_487 = arith.constant 126 : i32
    %add3A_488 = vector.broadcast %add3A_487 : i32 to vector<16xi32>
    %add3A_489 = arith.addi %mul3A_486, %add3A_488 : vector<16xi32>
    %shift_right_arithmetic3A_490 = arith.constant 12 : i32
    %shift_right_arithmetic3A_491 = vector.broadcast %shift_right_arithmetic3A_490 : i32 to vector<16xi32>
    %shift_right_arithmetic3A_492 = arith.shrsi %add3A_489, %shift_right_arithmetic3A_491 : vector<16xi32>
    %add3A_493 = arith.addi %add3A_483, %shift_right_arithmetic3A_492 : vector<16xi32>
    %add3A_494 = arith.constant 1 : i32
    %add3A_495 = vector.broadcast %add3A_494 : i32 to vector<16xi32>
    %add3A_496 = arith.addi %add3A_493, %add3A_495 : vector<16xi32>
    %swap3A_497 = arith.constant 6 : i32
    %swap3A_498 = arith.index_cast %swap3A_497 : i32 to index
    %swap3A_499 = arith.constant 0 : index
    %swap3A_500 = tpu.vector_load %arg5[%swap3A_498, %swap3A_499] {strides = array<i32>} : memref<16x32xi32, #tpu.memory_space<vmem>>, vector<1x16xi32>,
    %swap3A_501 = vector.shape_cast %swap3A_500 : vector<1x16xi32> to vector<16xi32>
    %swap3A_502 = vector.shape_cast %add3A_496 : vector<16xi32> to vector<1x16xi32>
    tpu.vector_store %arg5[%swap3A_498, %swap3A_499], %swap3A_502 {strides = array<i32>} : memref<16x32xi32, #tpu.memory_space<vmem>>, vector<1x16xi32>,
    %add3A_503 = arith.constant 192 : i32
    %add3A_504 = arith.addi %mul3A_2, %add3A_503 : i32
    %add3A_505 = arith.constant 16 : i32
    %add3A_506 = arith.addi %add3A_504, %add3A_505 : i32
    %add3A_507 = vector.broadcast %add3A_506 : i32 to vector<16xi32>
    %add3A_508 = arith.addi %add3A_507, %iota3A : vector<16xi32>
    %and3A_509 = arith.constant 4095 : i32
    %and3A_510 = vector.broadcast %and3A_509 : i32 to vector<16xi32>
    %and3A_511 = arith.andi %add3A_508, %and3A_510 : vector<16xi32>
    %shift_right_arithmetic3A_512 = arith.constant 12 : i32
    %shift_right_arithmetic3A_513 = vector.broadcast %shift_right_arithmetic3A_512 : i32 to vector<16xi32>
    %shift_right_arithmetic3A_514 = arith.shrsi %add3A_508, %shift_right_arithmetic3A_513 : vector<16xi32>
    %shift_left3A_515 = arith.constant 7 : i32
    %shift_left3A_516 = vector.broadcast %shift_left3A_515 : i32 to vector<16xi32>
    %shift_left3A_517 = arith.shli %shift_right_arithmetic3A_514, %shift_left3A_516 : vector<16xi32>
    %add3A_518 = arith.addi %add3A_508, %shift_left3A_517 : vector<16xi32>
    %mul3A_519 = arith.constant 127 : i32
    %mul3A_520 = vector.broadcast %mul3A_519 : i32 to vector<16xi32>
    %mul3A_521 = arith.muli %mul3A_520, %and3A_511 : vector<16xi32>
    %add3A_522 = arith.constant 126 : i32
    %add3A_523 = vector.broadcast %add3A_522 : i32 to vector<16xi32>
    %add3A_524 = arith.addi %mul3A_521, %add3A_523 : vector<16xi32>
    %shift_right_arithmetic3A_525 = arith.constant 12 : i32
    %shift_right_arithmetic3A_526 = vector.broadcast %shift_right_arithmetic3A_525 : i32 to vector<16xi32>
    %shift_right_arithmetic3A_527 = arith.shrsi %add3A_524, %shift_right_arithmetic3A_526 : vector<16xi32>
    %add3A_528 = arith.addi %add3A_518, %shift_right_arithmetic3A_527 : vector<16xi32>
    %add3A_529 = arith.constant 1 : i32
    %add3A_530 = vector.broadcast %add3A_529 : i32 to vector<16xi32>
    %add3A_531 = arith.addi %add3A_528, %add3A_530 : vector<16xi32>
    %swap3A_532 = arith.constant 6 : i32
    %swap3A_533 = arith.index_cast %swap3A_532 : i32 to index
    %swap3A_534 = arith.constant 16 : index
    %swap3A_535 = tpu.vector_load %arg5[%swap3A_533, %swap3A_534] {strides = array<i32>} : memref<16x32xi32, #tpu.memory_space<vmem>>, vector<1x16xi32>,
    %swap3A_536 = vector.shape_cast %swap3A_535 : vector<1x16xi32> to vector<16xi32>
    %swap3A_537 = vector.shape_cast %add3A_531 : vector<16xi32> to vector<1x16xi32>
    tpu.vector_store %arg5[%swap3A_533, %swap3A_534], %swap3A_537 {strides = array<i32>} : memref<16x32xi32, #tpu.memory_space<vmem>>, vector<1x16xi32>,
    %add3A_538 = arith.constant 224 : i32
    %add3A_539 = arith.addi %mul3A_2, %add3A_538 : i32
    %add3A_540 = arith.constant 0 : i32
    %add3A_541 = arith.addi %add3A_539, %add3A_540 : i32
    %add3A_542 = vector.broadcast %add3A_541 : i32 to vector<16xi32>
    %add3A_543 = arith.addi %add3A_542, %iota3A : vector<16xi32>
    %and3A_544 = arith.constant 4095 : i32
    %and3A_545 = vector.broadcast %and3A_544 : i32 to vector<16xi32>
    %and3A_546 = arith.andi %add3A_543, %and3A_545 : vector<16xi32>
    %shift_right_arithmetic3A_547 = arith.constant 12 : i32
    %shift_right_arithmetic3A_548 = vector.broadcast %shift_right_arithmetic3A_547 : i32 to vector<16xi32>
    %shift_right_arithmetic3A_549 = arith.shrsi %add3A_543, %shift_right_arithmetic3A_548 : vector<16xi32>
    %shift_left3A_550 = arith.constant 7 : i32
    %shift_left3A_551 = vector.broadcast %shift_left3A_550 : i32 to vector<16xi32>
    %shift_left3A_552 = arith.shli %shift_right_arithmetic3A_549, %shift_left3A_551 : vector<16xi32>
    %add3A_553 = arith.addi %add3A_543, %shift_left3A_552 : vector<16xi32>
    %mul3A_554 = arith.constant 127 : i32
    %mul3A_555 = vector.broadcast %mul3A_554 : i32 to vector<16xi32>
    %mul3A_556 = arith.muli %mul3A_555, %and3A_546 : vector<16xi32>
    %add3A_557 = arith.constant 126 : i32
    %add3A_558 = vector.broadcast %add3A_557 : i32 to vector<16xi32>
    %add3A_559 = arith.addi %mul3A_556, %add3A_558 : vector<16xi32>
    %shift_right_arithmetic3A_560 = arith.constant 12 : i32
    %shift_right_arithmetic3A_561 = vector.broadcast %shift_right_arithmetic3A_560 : i32 to vector<16xi32>
    %shift_right_arithmetic3A_562 = arith.shrsi %add3A_559, %shift_right_arithmetic3A_561 : vector<16xi32>
    %add3A_563 = arith.addi %add3A_553, %shift_right_arithmetic3A_562 : vector<16xi32>
    %add3A_564 = arith.constant 1 : i32
    %add3A_565 = vector.broadcast %add3A_564 : i32 to vector<16xi32>
    %add3A_566 = arith.addi %add3A_563, %add3A_565 : vector<16xi32>
    %swap3A_567 = arith.constant 7 : i32
    %swap3A_568 = arith.index_cast %swap3A_567 : i32 to index
    %swap3A_569 = arith.constant 0 : index
    %swap3A_570 = tpu.vector_load %arg5[%swap3A_568, %swap3A_569] {strides = array<i32>} : memref<16x32xi32, #tpu.memory_space<vmem>>, vector<1x16xi32>,
    %swap3A_571 = vector.shape_cast %swap3A_570 : vector<1x16xi32> to vector<16xi32>
    %swap3A_572 = vector.shape_cast %add3A_566 : vector<16xi32> to vector<1x16xi32>
    tpu.vector_store %arg5[%swap3A_568, %swap3A_569], %swap3A_572 {strides = array<i32>} : memref<16x32xi32, #tpu.memory_space<vmem>>, vector<1x16xi32>,
    %add3A_573 = arith.constant 224 : i32
    %add3A_574 = arith.addi %mul3A_2, %add3A_573 : i32
    %add3A_575 = arith.constant 16 : i32
    %add3A_576 = arith.addi %add3A_574, %add3A_575 : i32
    %add3A_577 = vector.broadcast %add3A_576 : i32 to vector<16xi32>
    %add3A_578 = arith.addi %add3A_577, %iota3A : vector<16xi32>
    %and3A_579 = arith.constant 4095 : i32
    %and3A_580 = vector.broadcast %and3A_579 : i32 to vector<16xi32>
    %and3A_581 = arith.andi %add3A_578, %and3A_580 : vector<16xi32>
    %shift_right_arithmetic3A_582 = arith.constant 12 : i32
    %shift_right_arithmetic3A_583 = vector.broadcast %shift_right_arithmetic3A_582 : i32 to vector<16xi32>
    %shift_right_arithmetic3A_584 = arith.shrsi %add3A_578, %shift_right_arithmetic3A_583 : vector<16xi32>
    %shift_left3A_585 = arith.constant 7 : i32
    %shift_left3A_586 = vector.broadcast %shift_left3A_585 : i32 to vector<16xi32>
    %shift_left3A_587 = arith.shli %shift_right_arithmetic3A_584, %shift_left3A_586 : vector<16xi32>
    %add3A_588 = arith.addi %add3A_578, %shift_left3A_587 : vector<16xi32>
    %mul3A_589 = arith.constant 127 : i32
    %mul3A_590 = vector.broadcast %mul3A_589 : i32 to vector<16xi32>
    %mul3A_591 = arith.muli %mul3A_590, %and3A_581 : vector<16xi32>
    %add3A_592 = arith.constant 126 : i32
    %add3A_593 = vector.broadcast %add3A_592 : i32 to vector<16xi32>
    %add3A_594 = arith.addi %mul3A_591, %add3A_593 : vector<16xi32>
    %shift_right_arithmetic3A_595 = arith.constant 12 : i32
    %shift_right_arithmetic3A_596 = vector.broadcast %shift_right_arithmetic3A_595 : i32 to vector<16xi32>
    %shift_right_arithmetic3A_597 = arith.shrsi %add3A_594, %shift_right_arithmetic3A_596 : vector<16xi32>
    %add3A_598 = arith.addi %add3A_588, %shift_right_arithmetic3A_597 : vector<16xi32>
    %add3A_599 = arith.constant 1 : i32
    %add3A_600 = vector.broadcast %add3A_599 : i32 to vector<16xi32>
    %add3A_601 = arith.addi %add3A_598, %add3A_600 : vector<16xi32>
    %swap3A_602 = arith.constant 7 : i32
    %swap3A_603 = arith.index_cast %swap3A_602 : i32 to index
    %swap3A_604 = arith.constant 16 : index
    %swap3A_605 = tpu.vector_load %arg5[%swap3A_603, %swap3A_604] {strides = array<i32>} : memref<16x32xi32, #tpu.memory_space<vmem>>, vector<1x16xi32>,
    %swap3A_606 = vector.shape_cast %swap3A_605 : vector<1x16xi32> to vector<16xi32>
    %swap3A_607 = vector.shape_cast %add3A_601 : vector<16xi32> to vector<1x16xi32>
    tpu.vector_store %arg5[%swap3A_603, %swap3A_604], %swap3A_607 {strides = array<i32>} : memref<16x32xi32, #tpu.memory_space<vmem>>, vector<1x16xi32>,
    %add3A_608 = arith.constant 256 : i32
    %add3A_609 = arith.addi %mul3A_2, %add3A_608 : i32
    %add3A_610 = arith.constant 0 : i32
    %add3A_611 = arith.addi %add3A_609, %add3A_610 : i32
    %add3A_612 = vector.broadcast %add3A_611 : i32 to vector<16xi32>
    %add3A_613 = arith.addi %add3A_612, %iota3A : vector<16xi32>
    %and3A_614 = arith.constant 4095 : i32
    %and3A_615 = vector.broadcast %and3A_614 : i32 to vector<16xi32>
    %and3A_616 = arith.andi %add3A_613, %and3A_615 : vector<16xi32>
    %shift_right_arithmetic3A_617 = arith.constant 12 : i32
    %shift_right_arithmetic3A_618 = vector.broadcast %shift_right_arithmetic3A_617 : i32 to vector<16xi32>
    %shift_right_arithmetic3A_619 = arith.shrsi %add3A_613, %shift_right_arithmetic3A_618 : vector<16xi32>
    %shift_left3A_620 = arith.constant 7 : i32
    %shift_left3A_621 = vector.broadcast %shift_left3A_620 : i32 to vector<16xi32>
    %shift_left3A_622 = arith.shli %shift_right_arithmetic3A_619, %shift_left3A_621 : vector<16xi32>
    %add3A_623 = arith.addi %add3A_613, %shift_left3A_622 : vector<16xi32>
    %mul3A_624 = arith.constant 127 : i32
    %mul3A_625 = vector.broadcast %mul3A_624 : i32 to vector<16xi32>
    %mul3A_626 = arith.muli %mul3A_625, %and3A_616 : vector<16xi32>
    %add3A_627 = arith.constant 126 : i32
    %add3A_628 = vector.broadcast %add3A_627 : i32 to vector<16xi32>
    %add3A_629 = arith.addi %mul3A_626, %add3A_628 : vector<16xi32>
    %shift_right_arithmetic3A_630 = arith.constant 12 : i32
    %shift_right_arithmetic3A_631 = vector.broadcast %shift_right_arithmetic3A_630 : i32 to vector<16xi32>
    %shift_right_arithmetic3A_632 = arith.shrsi %add3A_629, %shift_right_arithmetic3A_631 : vector<16xi32>
    %add3A_633 = arith.addi %add3A_623, %shift_right_arithmetic3A_632 : vector<16xi32>
    %add3A_634 = arith.constant 1 : i32
    %add3A_635 = vector.broadcast %add3A_634 : i32 to vector<16xi32>
    %add3A_636 = arith.addi %add3A_633, %add3A_635 : vector<16xi32>
    %swap3A_637 = arith.constant 8 : i32
    %swap3A_638 = arith.index_cast %swap3A_637 : i32 to index
    %swap3A_639 = arith.constant 0 : index
    %swap3A_640 = tpu.vector_load %arg5[%swap3A_638, %swap3A_639] {strides = array<i32>} : memref<16x32xi32, #tpu.memory_space<vmem>>, vector<1x16xi32>,
    %swap3A_641 = vector.shape_cast %swap3A_640 : vector<1x16xi32> to vector<16xi32>
    %swap3A_642 = vector.shape_cast %add3A_636 : vector<16xi32> to vector<1x16xi32>
    tpu.vector_store %arg5[%swap3A_638, %swap3A_639], %swap3A_642 {strides = array<i32>} : memref<16x32xi32, #tpu.memory_space<vmem>>, vector<1x16xi32>,
    %add3A_643 = arith.constant 256 : i32
    %add3A_644 = arith.addi %mul3A_2, %add3A_643 : i32
    %add3A_645 = arith.constant 16 : i32
    %add3A_646 = arith.addi %add3A_644, %add3A_645 : i32
    %add3A_647 = vector.broadcast %add3A_646 : i32 to vector<16xi32>
    %add3A_648 = arith.addi %add3A_647, %iota3A : vector<16xi32>
    %and3A_649 = arith.constant 4095 : i32
    %and3A_650 = vector.broadcast %and3A_649 : i32 to vector<16xi32>
    %and3A_651 = arith.andi %add3A_648, %and3A_650 : vector<16xi32>
    %shift_right_arithmetic3A_652 = arith.constant 12 : i32
    %shift_right_arithmetic3A_653 = vector.broadcast %shift_right_arithmetic3A_652 : i32 to vector<16xi32>
    %shift_right_arithmetic3A_654 = arith.shrsi %add3A_648, %shift_right_arithmetic3A_653 : vector<16xi32>
    %shift_left3A_655 = arith.constant 7 : i32
    %shift_left3A_656 = vector.broadcast %shift_left3A_655 : i32 to vector<16xi32>
    %shift_left3A_657 = arith.shli %shift_right_arithmetic3A_654, %shift_left3A_656 : vector<16xi32>
    %add3A_658 = arith.addi %add3A_648, %shift_left3A_657 : vector<16xi32>
    %mul3A_659 = arith.constant 127 : i32
    %mul3A_660 = vector.broadcast %mul3A_659 : i32 to vector<16xi32>
    %mul3A_661 = arith.muli %mul3A_660, %and3A_651 : vector<16xi32>
    %add3A_662 = arith.constant 126 : i32
    %add3A_663 = vector.broadcast %add3A_662 : i32 to vector<16xi32>
    %add3A_664 = arith.addi %mul3A_661, %add3A_663 : vector<16xi32>
    %shift_right_arithmetic3A_665 = arith.constant 12 : i32
    %shift_right_arithmetic3A_666 = vector.broadcast %shift_right_arithmetic3A_665 : i32 to vector<16xi32>
    %shift_right_arithmetic3A_667 = arith.shrsi %add3A_664, %shift_right_arithmetic3A_666 : vector<16xi32>
    %add3A_668 = arith.addi %add3A_658, %shift_right_arithmetic3A_667 : vector<16xi32>
    %add3A_669 = arith.constant 1 : i32
    %add3A_670 = vector.broadcast %add3A_669 : i32 to vector<16xi32>
    %add3A_671 = arith.addi %add3A_668, %add3A_670 : vector<16xi32>
    %swap3A_672 = arith.constant 8 : i32
    %swap3A_673 = arith.index_cast %swap3A_672 : i32 to index
    %swap3A_674 = arith.constant 16 : index
    %swap3A_675 = tpu.vector_load %arg5[%swap3A_673, %swap3A_674] {strides = array<i32>} : memref<16x32xi32, #tpu.memory_space<vmem>>, vector<1x16xi32>,
    %swap3A_676 = vector.shape_cast %swap3A_675 : vector<1x16xi32> to vector<16xi32>
    %swap3A_677 = vector.shape_cast %add3A_671 : vector<16xi32> to vector<1x16xi32>
    tpu.vector_store %arg5[%swap3A_673, %swap3A_674], %swap3A_677 {strides = array<i32>} : memref<16x32xi32, #tpu.memory_space<vmem>>, vector<1x16xi32>,
    %add3A_678 = arith.constant 288 : i32
    %add3A_679 = arith.addi %mul3A_2, %add3A_678 : i32
    %add3A_680 = arith.constant 0 : i32
    %add3A_681 = arith.addi %add3A_679, %add3A_680 : i32
    %add3A_682 = vector.broadcast %add3A_681 : i32 to vector<16xi32>
    %add3A_683 = arith.addi %add3A_682, %iota3A : vector<16xi32>
    %and3A_684 = arith.constant 4095 : i32
    %and3A_685 = vector.broadcast %and3A_684 : i32 to vector<16xi32>
    %and3A_686 = arith.andi %add3A_683, %and3A_685 : vector<16xi32>
    %shift_right_arithmetic3A_687 = arith.constant 12 : i32
    %shift_right_arithmetic3A_688 = vector.broadcast %shift_right_arithmetic3A_687 : i32 to vector<16xi32>
    %shift_right_arithmetic3A_689 = arith.shrsi %add3A_683, %shift_right_arithmetic3A_688 : vector<16xi32>
    %shift_left3A_690 = arith.constant 7 : i32
    %shift_left3A_691 = vector.broadcast %shift_left3A_690 : i32 to vector<16xi32>
    %shift_left3A_692 = arith.shli %shift_right_arithmetic3A_689, %shift_left3A_691 : vector<16xi32>
    %add3A_693 = arith.addi %add3A_683, %shift_left3A_692 : vector<16xi32>
    %mul3A_694 = arith.constant 127 : i32
    %mul3A_695 = vector.broadcast %mul3A_694 : i32 to vector<16xi32>
    %mul3A_696 = arith.muli %mul3A_695, %and3A_686 : vector<16xi32>
    %add3A_697 = arith.constant 126 : i32
    %add3A_698 = vector.broadcast %add3A_697 : i32 to vector<16xi32>
    %add3A_699 = arith.addi %mul3A_696, %add3A_698 : vector<16xi32>
    %shift_right_arithmetic3A_700 = arith.constant 12 : i32
    %shift_right_arithmetic3A_701 = vector.broadcast %shift_right_arithmetic3A_700 : i32 to vector<16xi32>
    %shift_right_arithmetic3A_702 = arith.shrsi %add3A_699, %shift_right_arithmetic3A_701 : vector<16xi32>
    %add3A_703 = arith.addi %add3A_693, %shift_right_arithmetic3A_702 : vector<16xi32>
    %add3A_704 = arith.constant 1 : i32
    %add3A_705 = vector.broadcast %add3A_704 : i32 to vector<16xi32>
    %add3A_706 = arith.addi %add3A_703, %add3A_705 : vector<16xi32>
    %swap3A_707 = arith.constant 9 : i32
    %swap3A_708 = arith.index_cast %swap3A_707 : i32 to index
    %swap3A_709 = arith.constant 0 : index
    %swap3A_710 = tpu.vector_load %arg5[%swap3A_708, %swap3A_709] {strides = array<i32>} : memref<16x32xi32, #tpu.memory_space<vmem>>, vector<1x16xi32>,
    %swap3A_711 = vector.shape_cast %swap3A_710 : vector<1x16xi32> to vector<16xi32>
    %swap3A_712 = vector.shape_cast %add3A_706 : vector<16xi32> to vector<1x16xi32>
    tpu.vector_store %arg5[%swap3A_708, %swap3A_709], %swap3A_712 {strides = array<i32>} : memref<16x32xi32, #tpu.memory_space<vmem>>, vector<1x16xi32>,
    %add3A_713 = arith.constant 288 : i32
    %add3A_714 = arith.addi %mul3A_2, %add3A_713 : i32
    %add3A_715 = arith.constant 16 : i32
    %add3A_716 = arith.addi %add3A_714, %add3A_715 : i32
    %add3A_717 = vector.broadcast %add3A_716 : i32 to vector<16xi32>
    %add3A_718 = arith.addi %add3A_717, %iota3A : vector<16xi32>
    %and3A_719 = arith.constant 4095 : i32
    %and3A_720 = vector.broadcast %and3A_719 : i32 to vector<16xi32>
    %and3A_721 = arith.andi %add3A_718, %and3A_720 : vector<16xi32>
    %shift_right_arithmetic3A_722 = arith.constant 12 : i32
    %shift_right_arithmetic3A_723 = vector.broadcast %shift_right_arithmetic3A_722 : i32 to vector<16xi32>
    %shift_right_arithmetic3A_724 = arith.shrsi %add3A_718, %shift_right_arithmetic3A_723 : vector<16xi32>
    %shift_left3A_725 = arith.constant 7 : i32
    %shift_left3A_726 = vector.broadcast %shift_left3A_725 : i32 to vector<16xi32>
    %shift_left3A_727 = arith.shli %shift_right_arithmetic3A_724, %shift_left3A_726 : vector<16xi32>
    %add3A_728 = arith.addi %add3A_718, %shift_left3A_727 : vector<16xi32>
    %mul3A_729 = arith.constant 127 : i32
    %mul3A_730 = vector.broadcast %mul3A_729 : i32 to vector<16xi32>
    %mul3A_731 = arith.muli %mul3A_730, %and3A_721 : vector<16xi32>
    %add3A_732 = arith.constant 126 : i32
    %add3A_733 = vector.broadcast %add3A_732 : i32 to vector<16xi32>
    %add3A_734 = arith.addi %mul3A_731, %add3A_733 : vector<16xi32>
    %shift_right_arithmetic3A_735 = arith.constant 12 : i32
    %shift_right_arithmetic3A_736 = vector.broadcast %shift_right_arithmetic3A_735 : i32 to vector<16xi32>
    %shift_right_arithmetic3A_737 = arith.shrsi %add3A_734, %shift_right_arithmetic3A_736 : vector<16xi32>
    %add3A_738 = arith.addi %add3A_728, %shift_right_arithmetic3A_737 : vector<16xi32>
    %add3A_739 = arith.constant 1 : i32
    %add3A_740 = vector.broadcast %add3A_739 : i32 to vector<16xi32>
    %add3A_741 = arith.addi %add3A_738, %add3A_740 : vector<16xi32>
    %swap3A_742 = arith.constant 9 : i32
    %swap3A_743 = arith.index_cast %swap3A_742 : i32 to index
    %swap3A_744 = arith.constant 16 : index
    %swap3A_745 = tpu.vector_load %arg5[%swap3A_743, %swap3A_744] {strides = array<i32>} : memref<16x32xi32, #tpu.memory_space<vmem>>, vector<1x16xi32>,
    %swap3A_746 = vector.shape_cast %swap3A_745 : vector<1x16xi32> to vector<16xi32>
    %swap3A_747 = vector.shape_cast %add3A_741 : vector<16xi32> to vector<1x16xi32>
    tpu.vector_store %arg5[%swap3A_743, %swap3A_744], %swap3A_747 {strides = array<i32>} : memref<16x32xi32, #tpu.memory_space<vmem>>, vector<1x16xi32>,
    %add3A_748 = arith.constant 320 : i32
    %add3A_749 = arith.addi %mul3A_2, %add3A_748 : i32
    %add3A_750 = arith.constant 0 : i32
    %add3A_751 = arith.addi %add3A_749, %add3A_750 : i32
    %add3A_752 = vector.broadcast %add3A_751 : i32 to vector<16xi32>
    %add3A_753 = arith.addi %add3A_752, %iota3A : vector<16xi32>
    %and3A_754 = arith.constant 4095 : i32
    %and3A_755 = vector.broadcast %and3A_754 : i32 to vector<16xi32>
    %and3A_756 = arith.andi %add3A_753, %and3A_755 : vector<16xi32>
    %shift_right_arithmetic3A_757 = arith.constant 12 : i32
    %shift_right_arithmetic3A_758 = vector.broadcast %shift_right_arithmetic3A_757 : i32 to vector<16xi32>
    %shift_right_arithmetic3A_759 = arith.shrsi %add3A_753, %shift_right_arithmetic3A_758 : vector<16xi32>
    %shift_left3A_760 = arith.constant 7 : i32
    %shift_left3A_761 = vector.broadcast %shift_left3A_760 : i32 to vector<16xi32>
    %shift_left3A_762 = arith.shli %shift_right_arithmetic3A_759, %shift_left3A_761 : vector<16xi32>
    %add3A_763 = arith.addi %add3A_753, %shift_left3A_762 : vector<16xi32>
    %mul3A_764 = arith.constant 127 : i32
    %mul3A_765 = vector.broadcast %mul3A_764 : i32 to vector<16xi32>
    %mul3A_766 = arith.muli %mul3A_765, %and3A_756 : vector<16xi32>
    %add3A_767 = arith.constant 126 : i32
    %add3A_768 = vector.broadcast %add3A_767 : i32 to vector<16xi32>
    %add3A_769 = arith.addi %mul3A_766, %add3A_768 : vector<16xi32>
    %shift_right_arithmetic3A_770 = arith.constant 12 : i32
    %shift_right_arithmetic3A_771 = vector.broadcast %shift_right_arithmetic3A_770 : i32 to vector<16xi32>
    %shift_right_arithmetic3A_772 = arith.shrsi %add3A_769, %shift_right_arithmetic3A_771 : vector<16xi32>
    %add3A_773 = arith.addi %add3A_763, %shift_right_arithmetic3A_772 : vector<16xi32>
    %add3A_774 = arith.constant 1 : i32
    %add3A_775 = vector.broadcast %add3A_774 : i32 to vector<16xi32>
    %add3A_776 = arith.addi %add3A_773, %add3A_775 : vector<16xi32>
    %swap3A_777 = arith.constant 10 : i32
    %swap3A_778 = arith.index_cast %swap3A_777 : i32 to index
    %swap3A_779 = arith.constant 0 : index
    %swap3A_780 = tpu.vector_load %arg5[%swap3A_778, %swap3A_779] {strides = array<i32>} : memref<16x32xi32, #tpu.memory_space<vmem>>, vector<1x16xi32>,
    %swap3A_781 = vector.shape_cast %swap3A_780 : vector<1x16xi32> to vector<16xi32>
    %swap3A_782 = vector.shape_cast %add3A_776 : vector<16xi32> to vector<1x16xi32>
    tpu.vector_store %arg5[%swap3A_778, %swap3A_779], %swap3A_782 {strides = array<i32>} : memref<16x32xi32, #tpu.memory_space<vmem>>, vector<1x16xi32>,
    %add3A_783 = arith.constant 320 : i32
    %add3A_784 = arith.addi %mul3A_2, %add3A_783 : i32
    %add3A_785 = arith.constant 16 : i32
    %add3A_786 = arith.addi %add3A_784, %add3A_785 : i32
    %add3A_787 = vector.broadcast %add3A_786 : i32 to vector<16xi32>
    %add3A_788 = arith.addi %add3A_787, %iota3A : vector<16xi32>
    %and3A_789 = arith.constant 4095 : i32
    %and3A_790 = vector.broadcast %and3A_789 : i32 to vector<16xi32>
    %and3A_791 = arith.andi %add3A_788, %and3A_790 : vector<16xi32>
    %shift_right_arithmetic3A_792 = arith.constant 12 : i32
    %shift_right_arithmetic3A_793 = vector.broadcast %shift_right_arithmetic3A_792 : i32 to vector<16xi32>
    %shift_right_arithmetic3A_794 = arith.shrsi %add3A_788, %shift_right_arithmetic3A_793 : vector<16xi32>
    %shift_left3A_795 = arith.constant 7 : i32
    %shift_left3A_796 = vector.broadcast %shift_left3A_795 : i32 to vector<16xi32>
    %shift_left3A_797 = arith.shli %shift_right_arithmetic3A_794, %shift_left3A_796 : vector<16xi32>
    %add3A_798 = arith.addi %add3A_788, %shift_left3A_797 : vector<16xi32>
    %mul3A_799 = arith.constant 127 : i32
    %mul3A_800 = vector.broadcast %mul3A_799 : i32 to vector<16xi32>
    %mul3A_801 = arith.muli %mul3A_800, %and3A_791 : vector<16xi32>
    %add3A_802 = arith.constant 126 : i32
    %add3A_803 = vector.broadcast %add3A_802 : i32 to vector<16xi32>
    %add3A_804 = arith.addi %mul3A_801, %add3A_803 : vector<16xi32>
    %shift_right_arithmetic3A_805 = arith.constant 12 : i32
    %shift_right_arithmetic3A_806 = vector.broadcast %shift_right_arithmetic3A_805 : i32 to vector<16xi32>
    %shift_right_arithmetic3A_807 = arith.shrsi %add3A_804, %shift_right_arithmetic3A_806 : vector<16xi32>
    %add3A_808 = arith.addi %add3A_798, %shift_right_arithmetic3A_807 : vector<16xi32>
    %add3A_809 = arith.constant 1 : i32
    %add3A_810 = vector.broadcast %add3A_809 : i32 to vector<16xi32>
    %add3A_811 = arith.addi %add3A_808, %add3A_810 : vector<16xi32>
    %swap3A_812 = arith.constant 10 : i32
    %swap3A_813 = arith.index_cast %swap3A_812 : i32 to index
    %swap3A_814 = arith.constant 16 : index
    %swap3A_815 = tpu.vector_load %arg5[%swap3A_813, %swap3A_814] {strides = array<i32>} : memref<16x32xi32, #tpu.memory_space<vmem>>, vector<1x16xi32>,
    %swap3A_816 = vector.shape_cast %swap3A_815 : vector<1x16xi32> to vector<16xi32>
    %swap3A_817 = vector.shape_cast %add3A_811 : vector<16xi32> to vector<1x16xi32>
    tpu.vector_store %arg5[%swap3A_813, %swap3A_814], %swap3A_817 {strides = array<i32>} : memref<16x32xi32, #tpu.memory_space<vmem>>, vector<1x16xi32>,
    %add3A_818 = arith.constant 352 : i32
    %add3A_819 = arith.addi %mul3A_2, %add3A_818 : i32
    %add3A_820 = arith.constant 0 : i32
    %add3A_821 = arith.addi %add3A_819, %add3A_820 : i32
    %add3A_822 = vector.broadcast %add3A_821 : i32 to vector<16xi32>
    %add3A_823 = arith.addi %add3A_822, %iota3A : vector<16xi32>
    %and3A_824 = arith.constant 4095 : i32
    %and3A_825 = vector.broadcast %and3A_824 : i32 to vector<16xi32>
    %and3A_826 = arith.andi %add3A_823, %and3A_825 : vector<16xi32>
    %shift_right_arithmetic3A_827 = arith.constant 12 : i32
    %shift_right_arithmetic3A_828 = vector.broadcast %shift_right_arithmetic3A_827 : i32 to vector<16xi32>
    %shift_right_arithmetic3A_829 = arith.shrsi %add3A_823, %shift_right_arithmetic3A_828 : vector<16xi32>
    %shift_left3A_830 = arith.constant 7 : i32
    %shift_left3A_831 = vector.broadcast %shift_left3A_830 : i32 to vector<16xi32>
    %shift_left3A_832 = arith.shli %shift_right_arithmetic3A_829, %shift_left3A_831 : vector<16xi32>
    %add3A_833 = arith.addi %add3A_823, %shift_left3A_832 : vector<16xi32>
    %mul3A_834 = arith.constant 127 : i32
    %mul3A_835 = vector.broadcast %mul3A_834 : i32 to vector<16xi32>
    %mul3A_836 = arith.muli %mul3A_835, %and3A_826 : vector<16xi32>
    %add3A_837 = arith.constant 126 : i32
    %add3A_838 = vector.broadcast %add3A_837 : i32 to vector<16xi32>
    %add3A_839 = arith.addi %mul3A_836, %add3A_838 : vector<16xi32>
    %shift_right_arithmetic3A_840 = arith.constant 12 : i32
    %shift_right_arithmetic3A_841 = vector.broadcast %shift_right_arithmetic3A_840 : i32 to vector<16xi32>
    %shift_right_arithmetic3A_842 = arith.shrsi %add3A_839, %shift_right_arithmetic3A_841 : vector<16xi32>
    %add3A_843 = arith.addi %add3A_833, %shift_right_arithmetic3A_842 : vector<16xi32>
    %add3A_844 = arith.constant 1 : i32
    %add3A_845 = vector.broadcast %add3A_844 : i32 to vector<16xi32>
    %add3A_846 = arith.addi %add3A_843, %add3A_845 : vector<16xi32>
    %swap3A_847 = arith.constant 11 : i32
    %swap3A_848 = arith.index_cast %swap3A_847 : i32 to index
    %swap3A_849 = arith.constant 0 : index
    %swap3A_850 = tpu.vector_load %arg5[%swap3A_848, %swap3A_849] {strides = array<i32>} : memref<16x32xi32, #tpu.memory_space<vmem>>, vector<1x16xi32>,
    %swap3A_851 = vector.shape_cast %swap3A_850 : vector<1x16xi32> to vector<16xi32>
    %swap3A_852 = vector.shape_cast %add3A_846 : vector<16xi32> to vector<1x16xi32>
    tpu.vector_store %arg5[%swap3A_848, %swap3A_849], %swap3A_852 {strides = array<i32>} : memref<16x32xi32, #tpu.memory_space<vmem>>, vector<1x16xi32>,
    %add3A_853 = arith.constant 352 : i32
    %add3A_854 = arith.addi %mul3A_2, %add3A_853 : i32
    %add3A_855 = arith.constant 16 : i32
    %add3A_856 = arith.addi %add3A_854, %add3A_855 : i32
    %add3A_857 = vector.broadcast %add3A_856 : i32 to vector<16xi32>
    %add3A_858 = arith.addi %add3A_857, %iota3A : vector<16xi32>
    %and3A_859 = arith.constant 4095 : i32
    %and3A_860 = vector.broadcast %and3A_859 : i32 to vector<16xi32>
    %and3A_861 = arith.andi %add3A_858, %and3A_860 : vector<16xi32>
    %shift_right_arithmetic3A_862 = arith.constant 12 : i32
    %shift_right_arithmetic3A_863 = vector.broadcast %shift_right_arithmetic3A_862 : i32 to vector<16xi32>
    %shift_right_arithmetic3A_864 = arith.shrsi %add3A_858, %shift_right_arithmetic3A_863 : vector<16xi32>
    %shift_left3A_865 = arith.constant 7 : i32
    %shift_left3A_866 = vector.broadcast %shift_left3A_865 : i32 to vector<16xi32>
    %shift_left3A_867 = arith.shli %shift_right_arithmetic3A_864, %shift_left3A_866 : vector<16xi32>
    %add3A_868 = arith.addi %add3A_858, %shift_left3A_867 : vector<16xi32>
    %mul3A_869 = arith.constant 127 : i32
    %mul3A_870 = vector.broadcast %mul3A_869 : i32 to vector<16xi32>
    %mul3A_871 = arith.muli %mul3A_870, %and3A_861 : vector<16xi32>
    %add3A_872 = arith.constant 126 : i32
    %add3A_873 = vector.broadcast %add3A_872 : i32 to vector<16xi32>
    %add3A_874 = arith.addi %mul3A_871, %add3A_873 : vector<16xi32>
    %shift_right_arithmetic3A_875 = arith.constant 12 : i32
    %shift_right_arithmetic3A_876 = vector.broadcast %shift_right_arithmetic3A_875 : i32 to vector<16xi32>
    %shift_right_arithmetic3A_877 = arith.shrsi %add3A_874, %shift_right_arithmetic3A_876 : vector<16xi32>
    %add3A_878 = arith.addi %add3A_868, %shift_right_arithmetic3A_877 : vector<16xi32>
    %add3A_879 = arith.constant 1 : i32
    %add3A_880 = vector.broadcast %add3A_879 : i32 to vector<16xi32>
    %add3A_881 = arith.addi %add3A_878, %add3A_880 : vector<16xi32>
    %swap3A_882 = arith.constant 11 : i32
    %swap3A_883 = arith.index_cast %swap3A_882 : i32 to index
    %swap3A_884 = arith.constant 16 : index
    %swap3A_885 = tpu.vector_load %arg5[%swap3A_883, %swap3A_884] {strides = array<i32>} : memref<16x32xi32, #tpu.memory_space<vmem>>, vector<1x16xi32>,
    %swap3A_886 = vector.shape_cast %swap3A_885 : vector<1x16xi32> to vector<16xi32>
    %swap3A_887 = vector.shape_cast %add3A_881 : vector<16xi32> to vector<1x16xi32>
    tpu.vector_store %arg5[%swap3A_883, %swap3A_884], %swap3A_887 {strides = array<i32>} : memref<16x32xi32, #tpu.memory_space<vmem>>, vector<1x16xi32>,
    %add3A_888 = arith.constant 384 : i32
    %add3A_889 = arith.addi %mul3A_2, %add3A_888 : i32
    %add3A_890 = arith.constant 0 : i32
    %add3A_891 = arith.addi %add3A_889, %add3A_890 : i32
    %add3A_892 = vector.broadcast %add3A_891 : i32 to vector<16xi32>
    %add3A_893 = arith.addi %add3A_892, %iota3A : vector<16xi32>
    %and3A_894 = arith.constant 4095 : i32
    %and3A_895 = vector.broadcast %and3A_894 : i32 to vector<16xi32>
    %and3A_896 = arith.andi %add3A_893, %and3A_895 : vector<16xi32>
    %shift_right_arithmetic3A_897 = arith.constant 12 : i32
    %shift_right_arithmetic3A_898 = vector.broadcast %shift_right_arithmetic3A_897 : i32 to vector<16xi32>
    %shift_right_arithmetic3A_899 = arith.shrsi %add3A_893, %shift_right_arithmetic3A_898 : vector<16xi32>
    %shift_left3A_900 = arith.constant 7 : i32
    %shift_left3A_901 = vector.broadcast %shift_left3A_900 : i32 to vector<16xi32>
    %shift_left3A_902 = arith.shli %shift_right_arithmetic3A_899, %shift_left3A_901 : vector<16xi32>
    %add3A_903 = arith.addi %add3A_893, %shift_left3A_902 : vector<16xi32>
    %mul3A_904 = arith.constant 127 : i32
    %mul3A_905 = vector.broadcast %mul3A_904 : i32 to vector<16xi32>
    %mul3A_906 = arith.muli %mul3A_905, %and3A_896 : vector<16xi32>
    %add3A_907 = arith.constant 126 : i32
    %add3A_908 = vector.broadcast %add3A_907 : i32 to vector<16xi32>
    %add3A_909 = arith.addi %mul3A_906, %add3A_908 : vector<16xi32>
    %shift_right_arithmetic3A_910 = arith.constant 12 : i32
    %shift_right_arithmetic3A_911 = vector.broadcast %shift_right_arithmetic3A_910 : i32 to vector<16xi32>
    %shift_right_arithmetic3A_912 = arith.shrsi %add3A_909, %shift_right_arithmetic3A_911 : vector<16xi32>
    %add3A_913 = arith.addi %add3A_903, %shift_right_arithmetic3A_912 : vector<16xi32>
    %add3A_914 = arith.constant 1 : i32
    %add3A_915 = vector.broadcast %add3A_914 : i32 to vector<16xi32>
    %add3A_916 = arith.addi %add3A_913, %add3A_915 : vector<16xi32>
    %swap3A_917 = arith.constant 12 : i32
    %swap3A_918 = arith.index_cast %swap3A_917 : i32 to index
    %swap3A_919 = arith.constant 0 : index
    %swap3A_920 = tpu.vector_load %arg5[%swap3A_918, %swap3A_919] {strides = array<i32>} : memref<16x32xi32, #tpu.memory_space<vmem>>, vector<1x16xi32>,
    %swap3A_921 = vector.shape_cast %swap3A_920 : vector<1x16xi32> to vector<16xi32>
    %swap3A_922 = vector.shape_cast %add3A_916 : vector<16xi32> to vector<1x16xi32>
    tpu.vector_store %arg5[%swap3A_918, %swap3A_919], %swap3A_922 {strides = array<i32>} : memref<16x32xi32, #tpu.memory_space<vmem>>, vector<1x16xi32>,
    %add3A_923 = arith.constant 384 : i32
    %add3A_924 = arith.addi %mul3A_2, %add3A_923 : i32
    %add3A_925 = arith.constant 16 : i32
    %add3A_926 = arith.addi %add3A_924, %add3A_925 : i32
    %add3A_927 = vector.broadcast %add3A_926 : i32 to vector<16xi32>
    %add3A_928 = arith.addi %add3A_927, %iota3A : vector<16xi32>
    %and3A_929 = arith.constant 4095 : i32
    %and3A_930 = vector.broadcast %and3A_929 : i32 to vector<16xi32>
    %and3A_931 = arith.andi %add3A_928, %and3A_930 : vector<16xi32>
    %shift_right_arithmetic3A_932 = arith.constant 12 : i32
    %shift_right_arithmetic3A_933 = vector.broadcast %shift_right_arithmetic3A_932 : i32 to vector<16xi32>
    %shift_right_arithmetic3A_934 = arith.shrsi %add3A_928, %shift_right_arithmetic3A_933 : vector<16xi32>
    %shift_left3A_935 = arith.constant 7 : i32
    %shift_left3A_936 = vector.broadcast %shift_left3A_935 : i32 to vector<16xi32>
    %shift_left3A_937 = arith.shli %shift_right_arithmetic3A_934, %shift_left3A_936 : vector<16xi32>
    %add3A_938 = arith.addi %add3A_928, %shift_left3A_937 : vector<16xi32>
    %mul3A_939 = arith.constant 127 : i32
    %mul3A_940 = vector.broadcast %mul3A_939 : i32 to vector<16xi32>
    %mul3A_941 = arith.muli %mul3A_940, %and3A_931 : vector<16xi32>
    %add3A_942 = arith.constant 126 : i32
    %add3A_943 = vector.broadcast %add3A_942 : i32 to vector<16xi32>
    %add3A_944 = arith.addi %mul3A_941, %add3A_943 : vector<16xi32>
    %shift_right_arithmetic3A_945 = arith.constant 12 : i32
    %shift_right_arithmetic3A_946 = vector.broadcast %shift_right_arithmetic3A_945 : i32 to vector<16xi32>
    %shift_right_arithmetic3A_947 = arith.shrsi %add3A_944, %shift_right_arithmetic3A_946 : vector<16xi32>
    %add3A_948 = arith.addi %add3A_938, %shift_right_arithmetic3A_947 : vector<16xi32>
    %add3A_949 = arith.constant 1 : i32
    %add3A_950 = vector.broadcast %add3A_949 : i32 to vector<16xi32>
    %add3A_951 = arith.addi %add3A_948, %add3A_950 : vector<16xi32>
    %swap3A_952 = arith.constant 12 : i32
    %swap3A_953 = arith.index_cast %swap3A_952 : i32 to index
    %swap3A_954 = arith.constant 16 : index
    %swap3A_955 = tpu.vector_load %arg5[%swap3A_953, %swap3A_954] {strides = array<i32>} : memref<16x32xi32, #tpu.memory_space<vmem>>, vector<1x16xi32>,
    %swap3A_956 = vector.shape_cast %swap3A_955 : vector<1x16xi32> to vector<16xi32>
    %swap3A_957 = vector.shape_cast %add3A_951 : vector<16xi32> to vector<1x16xi32>
    tpu.vector_store %arg5[%swap3A_953, %swap3A_954], %swap3A_957 {strides = array<i32>} : memref<16x32xi32, #tpu.memory_space<vmem>>, vector<1x16xi32>,
    %add3A_958 = arith.constant 416 : i32
    %add3A_959 = arith.addi %mul3A_2, %add3A_958 : i32
    %add3A_960 = arith.constant 0 : i32
    %add3A_961 = arith.addi %add3A_959, %add3A_960 : i32
    %add3A_962 = vector.broadcast %add3A_961 : i32 to vector<16xi32>
    %add3A_963 = arith.addi %add3A_962, %iota3A : vector<16xi32>
    %and3A_964 = arith.constant 4095 : i32
    %and3A_965 = vector.broadcast %and3A_964 : i32 to vector<16xi32>
    %and3A_966 = arith.andi %add3A_963, %and3A_965 : vector<16xi32>
    %shift_right_arithmetic3A_967 = arith.constant 12 : i32
    %shift_right_arithmetic3A_968 = vector.broadcast %shift_right_arithmetic3A_967 : i32 to vector<16xi32>
    %shift_right_arithmetic3A_969 = arith.shrsi %add3A_963, %shift_right_arithmetic3A_968 : vector<16xi32>
    %shift_left3A_970 = arith.constant 7 : i32
    %shift_left3A_971 = vector.broadcast %shift_left3A_970 : i32 to vector<16xi32>
    %shift_left3A_972 = arith.shli %shift_right_arithmetic3A_969, %shift_left3A_971 : vector<16xi32>
    %add3A_973 = arith.addi %add3A_963, %shift_left3A_972 : vector<16xi32>
    %mul3A_974 = arith.constant 127 : i32
    %mul3A_975 = vector.broadcast %mul3A_974 : i32 to vector<16xi32>
    %mul3A_976 = arith.muli %mul3A_975, %and3A_966 : vector<16xi32>
    %add3A_977 = arith.constant 126 : i32
    %add3A_978 = vector.broadcast %add3A_977 : i32 to vector<16xi32>
    %add3A_979 = arith.addi %mul3A_976, %add3A_978 : vector<16xi32>
    %shift_right_arithmetic3A_980 = arith.constant 12 : i32
    %shift_right_arithmetic3A_981 = vector.broadcast %shift_right_arithmetic3A_980 : i32 to vector<16xi32>
    %shift_right_arithmetic3A_982 = arith.shrsi %add3A_979, %shift_right_arithmetic3A_981 : vector<16xi32>
    %add3A_983 = arith.addi %add3A_973, %shift_right_arithmetic3A_982 : vector<16xi32>
    %add3A_984 = arith.constant 1 : i32
    %add3A_985 = vector.broadcast %add3A_984 : i32 to vector<16xi32>
    %add3A_986 = arith.addi %add3A_983, %add3A_985 : vector<16xi32>
    %swap3A_987 = arith.constant 13 : i32
    %swap3A_988 = arith.index_cast %swap3A_987 : i32 to index
    %swap3A_989 = arith.constant 0 : index
    %swap3A_990 = tpu.vector_load %arg5[%swap3A_988, %swap3A_989] {strides = array<i32>} : memref<16x32xi32, #tpu.memory_space<vmem>>, vector<1x16xi32>,
    %swap3A_991 = vector.shape_cast %swap3A_990 : vector<1x16xi32> to vector<16xi32>
    %swap3A_992 = vector.shape_cast %add3A_986 : vector<16xi32> to vector<1x16xi32>
    tpu.vector_store %arg5[%swap3A_988, %swap3A_989], %swap3A_992 {strides = array<i32>} : memref<16x32xi32, #tpu.memory_space<vmem>>, vector<1x16xi32>,
    %add3A_993 = arith.constant 416 : i32
    %add3A_994 = arith.addi %mul3A_2, %add3A_993 : i32
    %add3A_995 = arith.constant 16 : i32
    %add3A_996 = arith.addi %add3A_994, %add3A_995 : i32
    %add3A_997 = vector.broadcast %add3A_996 : i32 to vector<16xi32>
    %add3A_998 = arith.addi %add3A_997, %iota3A : vector<16xi32>
    %and3A_999 = arith.constant 4095 : i32
    %and3A_1000 = vector.broadcast %and3A_999 : i32 to vector<16xi32>
    %and3A_1001 = arith.andi %add3A_998, %and3A_1000 : vector<16xi32>
    %shift_right_arithmetic3A_1002 = arith.constant 12 : i32
    %shift_right_arithmetic3A_1003 = vector.broadcast %shift_right_arithmetic3A_1002 : i32 to vector<16xi32>
    %shift_right_arithmetic3A_1004 = arith.shrsi %add3A_998, %shift_right_arithmetic3A_1003 : vector<16xi32>
    %shift_left3A_1005 = arith.constant 7 : i32
    %shift_left3A_1006 = vector.broadcast %shift_left3A_1005 : i32 to vector<16xi32>
    %shift_left3A_1007 = arith.shli %shift_right_arithmetic3A_1004, %shift_left3A_1006 : vector<16xi32>
    %add3A_1008 = arith.addi %add3A_998, %shift_left3A_1007 : vector<16xi32>
    %mul3A_1009 = arith.constant 127 : i32
    %mul3A_1010 = vector.broadcast %mul3A_1009 : i32 to vector<16xi32>
    %mul3A_1011 = arith.muli %mul3A_1010, %and3A_1001 : vector<16xi32>
    %add3A_1012 = arith.constant 126 : i32
    %add3A_1013 = vector.broadcast %add3A_1012 : i32 to vector<16xi32>
    %add3A_1014 = arith.addi %mul3A_1011, %add3A_1013 : vector<16xi32>
    %shift_right_arithmetic3A_1015 = arith.constant 12 : i32
    %shift_right_arithmetic3A_1016 = vector.broadcast %shift_right_arithmetic3A_1015 : i32 to vector<16xi32>
    %shift_right_arithmetic3A_1017 = arith.shrsi %add3A_1014, %shift_right_arithmetic3A_1016 : vector<16xi32>
    %add3A_1018 = arith.addi %add3A_1008, %shift_right_arithmetic3A_1017 : vector<16xi32>
    %add3A_1019 = arith.constant 1 : i32
    %add3A_1020 = vector.broadcast %add3A_1019 : i32 to vector<16xi32>
    %add3A_1021 = arith.addi %add3A_1018, %add3A_1020 : vector<16xi32>
    %swap3A_1022 = arith.constant 13 : i32
    %swap3A_1023 = arith.index_cast %swap3A_1022 : i32 to index
    %swap3A_1024 = arith.constant 16 : index
    %swap3A_1025 = tpu.vector_load %arg5[%swap3A_1023, %swap3A_1024] {strides = array<i32>} : memref<16x32xi32, #tpu.memory_space<vmem>>, vector<1x16xi32>,
    %swap3A_1026 = vector.shape_cast %swap3A_1025 : vector<1x16xi32> to vector<16xi32>
    %swap3A_1027 = vector.shape_cast %add3A_1021 : vector<16xi32> to vector<1x16xi32>
    tpu.vector_store %arg5[%swap3A_1023, %swap3A_1024], %swap3A_1027 {strides = array<i32>} : memref<16x32xi32, #tpu.memory_space<vmem>>, vector<1x16xi32>,
    %add3A_1028 = arith.constant 448 : i32
    %add3A_1029 = arith.addi %mul3A_2, %add3A_1028 : i32
    %add3A_1030 = arith.constant 0 : i32
    %add3A_1031 = arith.addi %add3A_1029, %add3A_1030 : i32
    %add3A_1032 = vector.broadcast %add3A_1031 : i32 to vector<16xi32>
    %add3A_1033 = arith.addi %add3A_1032, %iota3A : vector<16xi32>
    %and3A_1034 = arith.constant 4095 : i32
    %and3A_1035 = vector.broadcast %and3A_1034 : i32 to vector<16xi32>
    %and3A_1036 = arith.andi %add3A_1033, %and3A_1035 : vector<16xi32>
    %shift_right_arithmetic3A_1037 = arith.constant 12 : i32
    %shift_right_arithmetic3A_1038 = vector.broadcast %shift_right_arithmetic3A_1037 : i32 to vector<16xi32>
    %shift_right_arithmetic3A_1039 = arith.shrsi %add3A_1033, %shift_right_arithmetic3A_1038 : vector<16xi32>
    %shift_left3A_1040 = arith.constant 7 : i32
    %shift_left3A_1041 = vector.broadcast %shift_left3A_1040 : i32 to vector<16xi32>
    %shift_left3A_1042 = arith.shli %shift_right_arithmetic3A_1039, %shift_left3A_1041 : vector<16xi32>
    %add3A_1043 = arith.addi %add3A_1033, %shift_left3A_1042 : vector<16xi32>
    %mul3A_1044 = arith.constant 127 : i32
    %mul3A_1045 = vector.broadcast %mul3A_1044 : i32 to vector<16xi32>
    %mul3A_1046 = arith.muli %mul3A_1045, %and3A_1036 : vector<16xi32>
    %add3A_1047 = arith.constant 126 : i32
    %add3A_1048 = vector.broadcast %add3A_1047 : i32 to vector<16xi32>
    %add3A_1049 = arith.addi %mul3A_1046, %add3A_1048 : vector<16xi32>
    %shift_right_arithmetic3A_1050 = arith.constant 12 : i32
    %shift_right_arithmetic3A_1051 = vector.broadcast %shift_right_arithmetic3A_1050 : i32 to vector<16xi32>
    %shift_right_arithmetic3A_1052 = arith.shrsi %add3A_1049, %shift_right_arithmetic3A_1051 : vector<16xi32>
    %add3A_1053 = arith.addi %add3A_1043, %shift_right_arithmetic3A_1052 : vector<16xi32>
    %add3A_1054 = arith.constant 1 : i32
    %add3A_1055 = vector.broadcast %add3A_1054 : i32 to vector<16xi32>
    %add3A_1056 = arith.addi %add3A_1053, %add3A_1055 : vector<16xi32>
    %swap3A_1057 = arith.constant 14 : i32
    %swap3A_1058 = arith.index_cast %swap3A_1057 : i32 to index
    %swap3A_1059 = arith.constant 0 : index
    %swap3A_1060 = tpu.vector_load %arg5[%swap3A_1058, %swap3A_1059] {strides = array<i32>} : memref<16x32xi32, #tpu.memory_space<vmem>>, vector<1x16xi32>,
    %swap3A_1061 = vector.shape_cast %swap3A_1060 : vector<1x16xi32> to vector<16xi32>
    %swap3A_1062 = vector.shape_cast %add3A_1056 : vector<16xi32> to vector<1x16xi32>
    tpu.vector_store %arg5[%swap3A_1058, %swap3A_1059], %swap3A_1062 {strides = array<i32>} : memref<16x32xi32, #tpu.memory_space<vmem>>, vector<1x16xi32>,
    %add3A_1063 = arith.constant 448 : i32
    %add3A_1064 = arith.addi %mul3A_2, %add3A_1063 : i32
    %add3A_1065 = arith.constant 16 : i32
    %add3A_1066 = arith.addi %add3A_1064, %add3A_1065 : i32
    %add3A_1067 = vector.broadcast %add3A_1066 : i32 to vector<16xi32>
    %add3A_1068 = arith.addi %add3A_1067, %iota3A : vector<16xi32>
    %and3A_1069 = arith.constant 4095 : i32
    %and3A_1070 = vector.broadcast %and3A_1069 : i32 to vector<16xi32>
    %and3A_1071 = arith.andi %add3A_1068, %and3A_1070 : vector<16xi32>
    %shift_right_arithmetic3A_1072 = arith.constant 12 : i32
    %shift_right_arithmetic3A_1073 = vector.broadcast %shift_right_arithmetic3A_1072 : i32 to vector<16xi32>
    %shift_right_arithmetic3A_1074 = arith.shrsi %add3A_1068, %shift_right_arithmetic3A_1073 : vector<16xi32>
    %shift_left3A_1075 = arith.constant 7 : i32
    %shift_left3A_1076 = vector.broadcast %shift_left3A_1075 : i32 to vector<16xi32>
    %shift_left3A_1077 = arith.shli %shift_right_arithmetic3A_1074, %shift_left3A_1076 : vector<16xi32>
    %add3A_1078 = arith.addi %add3A_1068, %shift_left3A_1077 : vector<16xi32>
    %mul3A_1079 = arith.constant 127 : i32
    %mul3A_1080 = vector.broadcast %mul3A_1079 : i32 to vector<16xi32>
    %mul3A_1081 = arith.muli %mul3A_1080, %and3A_1071 : vector<16xi32>
    %add3A_1082 = arith.constant 126 : i32
    %add3A_1083 = vector.broadcast %add3A_1082 : i32 to vector<16xi32>
    %add3A_1084 = arith.addi %mul3A_1081, %add3A_1083 : vector<16xi32>
    %shift_right_arithmetic3A_1085 = arith.constant 12 : i32
    %shift_right_arithmetic3A_1086 = vector.broadcast %shift_right_arithmetic3A_1085 : i32 to vector<16xi32>
    %shift_right_arithmetic3A_1087 = arith.shrsi %add3A_1084, %shift_right_arithmetic3A_1086 : vector<16xi32>
    %add3A_1088 = arith.addi %add3A_1078, %shift_right_arithmetic3A_1087 : vector<16xi32>
    %add3A_1089 = arith.constant 1 : i32
    %add3A_1090 = vector.broadcast %add3A_1089 : i32 to vector<16xi32>
    %add3A_1091 = arith.addi %add3A_1088, %add3A_1090 : vector<16xi32>
    %swap3A_1092 = arith.constant 14 : i32
    %swap3A_1093 = arith.index_cast %swap3A_1092 : i32 to index
    %swap3A_1094 = arith.constant 16 : index
    %swap3A_1095 = tpu.vector_load %arg5[%swap3A_1093, %swap3A_1094] {strides = array<i32>} : memref<16x32xi32, #tpu.memory_space<vmem>>, vector<1x16xi32>,
    %swap3A_1096 = vector.shape_cast %swap3A_1095 : vector<1x16xi32> to vector<16xi32>
    %swap3A_1097 = vector.shape_cast %add3A_1091 : vector<16xi32> to vector<1x16xi32>
    tpu.vector_store %arg5[%swap3A_1093, %swap3A_1094], %swap3A_1097 {strides = array<i32>} : memref<16x32xi32, #tpu.memory_space<vmem>>, vector<1x16xi32>,
    %add3A_1098 = arith.constant 480 : i32
    %add3A_1099 = arith.addi %mul3A_2, %add3A_1098 : i32
    %add3A_1100 = arith.constant 0 : i32
    %add3A_1101 = arith.addi %add3A_1099, %add3A_1100 : i32
    %add3A_1102 = vector.broadcast %add3A_1101 : i32 to vector<16xi32>
    %add3A_1103 = arith.addi %add3A_1102, %iota3A : vector<16xi32>
    %and3A_1104 = arith.constant 4095 : i32
    %and3A_1105 = vector.broadcast %and3A_1104 : i32 to vector<16xi32>
    %and3A_1106 = arith.andi %add3A_1103, %and3A_1105 : vector<16xi32>
    %shift_right_arithmetic3A_1107 = arith.constant 12 : i32
    %shift_right_arithmetic3A_1108 = vector.broadcast %shift_right_arithmetic3A_1107 : i32 to vector<16xi32>
    %shift_right_arithmetic3A_1109 = arith.shrsi %add3A_1103, %shift_right_arithmetic3A_1108 : vector<16xi32>
    %shift_left3A_1110 = arith.constant 7 : i32
    %shift_left3A_1111 = vector.broadcast %shift_left3A_1110 : i32 to vector<16xi32>
    %shift_left3A_1112 = arith.shli %shift_right_arithmetic3A_1109, %shift_left3A_1111 : vector<16xi32>
    %add3A_1113 = arith.addi %add3A_1103, %shift_left3A_1112 : vector<16xi32>
    %mul3A_1114 = arith.constant 127 : i32
    %mul3A_1115 = vector.broadcast %mul3A_1114 : i32 to vector<16xi32>
    %mul3A_1116 = arith.muli %mul3A_1115, %and3A_1106 : vector<16xi32>
    %add3A_1117 = arith.constant 126 : i32
    %add3A_1118 = vector.broadcast %add3A_1117 : i32 to vector<16xi32>
    %add3A_1119 = arith.addi %mul3A_1116, %add3A_1118 : vector<16xi32>
    %shift_right_arithmetic3A_1120 = arith.constant 12 : i32
    %shift_right_arithmetic3A_1121 = vector.broadcast %shift_right_arithmetic3A_1120 : i32 to vector<16xi32>
    %shift_right_arithmetic3A_1122 = arith.shrsi %add3A_1119, %shift_right_arithmetic3A_1121 : vector<16xi32>
    %add3A_1123 = arith.addi %add3A_1113, %shift_right_arithmetic3A_1122 : vector<16xi32>
    %add3A_1124 = arith.constant 1 : i32
    %add3A_1125 = vector.broadcast %add3A_1124 : i32 to vector<16xi32>
    %add3A_1126 = arith.addi %add3A_1123, %add3A_1125 : vector<16xi32>
    %swap3A_1127 = arith.constant 15 : i32
    %swap3A_1128 = arith.index_cast %swap3A_1127 : i32 to index
    %swap3A_1129 = arith.constant 0 : index
    %swap3A_1130 = tpu.vector_load %arg5[%swap3A_1128, %swap3A_1129] {strides = array<i32>} : memref<16x32xi32, #tpu.memory_space<vmem>>, vector<1x16xi32>,
    %swap3A_1131 = vector.shape_cast %swap3A_1130 : vector<1x16xi32> to vector<16xi32>
    %swap3A_1132 = vector.shape_cast %add3A_1126 : vector<16xi32> to vector<1x16xi32>
    tpu.vector_store %arg5[%swap3A_1128, %swap3A_1129], %swap3A_1132 {strides = array<i32>} : memref<16x32xi32, #tpu.memory_space<vmem>>, vector<1x16xi32>,
    %add3A_1133 = arith.constant 480 : i32
    %add3A_1134 = arith.addi %mul3A_2, %add3A_1133 : i32
    %add3A_1135 = arith.constant 16 : i32
    %add3A_1136 = arith.addi %add3A_1134, %add3A_1135 : i32
    %add3A_1137 = vector.broadcast %add3A_1136 : i32 to vector<16xi32>
    %add3A_1138 = arith.addi %add3A_1137, %iota3A : vector<16xi32>
    %and3A_1139 = arith.constant 4095 : i32
    %and3A_1140 = vector.broadcast %and3A_1139 : i32 to vector<16xi32>
    %and3A_1141 = arith.andi %add3A_1138, %and3A_1140 : vector<16xi32>
    %shift_right_arithmetic3A_1142 = arith.constant 12 : i32
    %shift_right_arithmetic3A_1143 = vector.broadcast %shift_right_arithmetic3A_1142 : i32 to vector<16xi32>
    %shift_right_arithmetic3A_1144 = arith.shrsi %add3A_1138, %shift_right_arithmetic3A_1143 : vector<16xi32>
    %shift_left3A_1145 = arith.constant 7 : i32
    %shift_left3A_1146 = vector.broadcast %shift_left3A_1145 : i32 to vector<16xi32>
    %shift_left3A_1147 = arith.shli %shift_right_arithmetic3A_1144, %shift_left3A_1146 : vector<16xi32>
    %add3A_1148 = arith.addi %add3A_1138, %shift_left3A_1147 : vector<16xi32>
    %mul3A_1149 = arith.constant 127 : i32
    %mul3A_1150 = vector.broadcast %mul3A_1149 : i32 to vector<16xi32>
    %mul3A_1151 = arith.muli %mul3A_1150, %and3A_1141 : vector<16xi32>
    %add3A_1152 = arith.constant 126 : i32
    %add3A_1153 = vector.broadcast %add3A_1152 : i32 to vector<16xi32>
    %add3A_1154 = arith.addi %mul3A_1151, %add3A_1153 : vector<16xi32>
    %shift_right_arithmetic3A_1155 = arith.constant 12 : i32
    %shift_right_arithmetic3A_1156 = vector.broadcast %shift_right_arithmetic3A_1155 : i32 to vector<16xi32>
    %shift_right_arithmetic3A_1157 = arith.shrsi %add3A_1154, %shift_right_arithmetic3A_1156 : vector<16xi32>
    %add3A_1158 = arith.addi %add3A_1148, %shift_right_arithmetic3A_1157 : vector<16xi32>
    %add3A_1159 = arith.constant 1 : i32
    %add3A_1160 = vector.broadcast %add3A_1159 : i32 to vector<16xi32>
    %add3A_1161 = arith.addi %add3A_1158, %add3A_1160 : vector<16xi32>
    %swap3A_1162 = arith.constant 15 : i32
    %swap3A_1163 = arith.index_cast %swap3A_1162 : i32 to index
    %swap3A_1164 = arith.constant 16 : index
    %swap3A_1165 = tpu.vector_load %arg5[%swap3A_1163, %swap3A_1164] {strides = array<i32>} : memref<16x32xi32, #tpu.memory_space<vmem>>, vector<1x16xi32>,
    %swap3A_1166 = vector.shape_cast %swap3A_1165 : vector<1x16xi32> to vector<16xi32>
    %swap3A_1167 = vector.shape_cast %add3A_1161 : vector<16xi32> to vector<1x16xi32>
    tpu.vector_store %arg5[%swap3A_1163, %swap3A_1164], %swap3A_1167 {strides = array<i32>} : memref<16x32xi32, #tpu.memory_space<vmem>>, vector<1x16xi32>,
    %dma_wait3A = arith.constant 0 : i32
    %dma_wait3A_1168 = arith.constant 0 : i32
    %dma_wait3A_1169 = tpu.memref_slice %arg3[%dma_wait3A, %dma_wait3A_1168] : memref<128x1024xf32, #tpu.memory_space<hbm>> -> memref<128x1024xf32, #tpu.memory_space<hbm>>
    tpu.wait_indirect_dma semaphore(%arg15 : memref<!tpu.dma_semaphore, #tpu.memory_space<semaphore_mem>>) src(%dma_wait3A_1169 : memref<128x1024xf32, #tpu.memory_space<hbm>>) dst(%arg10 : memref<16x1024xf32, #tpu.memory_space<vmem>>)
    %dma_start3A_1170 = arith.constant 0 : i32
    %dma_start3A_1171 = arith.constant 0 : i32
    %dma_start3A_1172 = tpu.memref_slice %arg4[%dma_start3A_1170, %dma_start3A_1171] : memref<16896x1024xf32, #tpu.memory_space<hbm>> -> memref<16896x1024xf32, #tpu.memory_space<hbm>>
    tpu.enqueue_indirect_dma source(%arg10 : memref<16x1024xf32, #tpu.memory_space<vmem>>) target(%dma_start3A_1172 : memref<16896x1024xf32, #tpu.memory_space<hbm>>) offsets(%arg9 : memref<16xi32, #tpu.memory_space<vmem>>) semaphore(%arg15 : memref<!tpu.dma_semaphore, #tpu.memory_space<semaphore_mem>>)
    %scan3A = arith.constant 0 : i32
    %scan3A_1173 = arith.constant 0 : i32
    %scan3A_1174 = arith.constant 8 : i32
    %scan3A_1175 = arith.addi %scan3A_1173, %scan3A_1174 : i32
    %scan3A_1176 = arith.constant 1 : i32
    scf.for %scan3A_1195 = %scan3A_1173 to %scan3A_1175 step %scan3A_1176  : i32 {
      %mul3A_1196 = arith.constant 2 : i32
      %mul3A_1197 = arith.muli %mul3A_1196, %scan3A_1195 : i32
      %add3A_1198 = arith.constant 0 : i32
      %add3A_1199 = arith.addi %mul3A_1197, %add3A_1198 : i32
      %mul3A_1200 = arith.constant 32 : i32
      %mul3A_1201 = arith.muli %add3A_1199, %mul3A_1200 : i32
      %add3A_1202 = arith.addi %mul3A_2, %mul3A_1201 : i32
      %dma_wait3A_1203 = arith.constant 0 : i32
      %dma_wait3A_1204 = tpu.memref_slice %arg2[%add3A_1202, %dma_wait3A_1203] : memref<16384x1024xf32, #tpu.memory_space<hbm>> -> memref<32x1024xf32, #tpu.memory_space<hbm>>
      %dma_wait3A_1205 = arith.constant 0 : i32
      %dma_wait3A_1206 = tpu.memref_slice %arg2[%add3A_1202, %dma_wait3A_1205] : memref<16384x1024xf32, #tpu.memory_space<hbm>> -> memref<32x1024xf32, #tpu.memory_space<hbm>>
      tpu.wait_dma2 semaphore(%arg11 : memref<!tpu.dma_semaphore, #tpu.memory_space<semaphore_mem>>) src(%dma_wait3A_1206 : memref<32x1024xf32, #tpu.memory_space<hbm>>) dst(%arg6 : memref<32x1024xf32, #tpu.memory_space<vmem>>)
      %dma_start3A_1207 = arith.constant 0 : i32
      %dma_start3A_1208 = tpu.memref_slice %arg5[%add3A_1199, %dma_start3A_1207] : memref<16x32xi32, #tpu.memory_space<vmem>> -> memref<1x32xi32, #tpu.memory_space<vmem>>
      %dma_start3A_1209 = tpu.memref_squeeze %dma_start3A_1208 : memref<1x32xi32, #tpu.memory_space<vmem>> -> memref<32xi32, #tpu.memory_space<vmem>>
      %dma_start3A_1210 = arith.constant 0 : i32
      %dma_start3A_1211 = arith.constant 0 : i32
      %dma_start3A_1212 = tpu.memref_slice %arg4[%dma_start3A_1210, %dma_start3A_1211] : memref<16896x1024xf32, #tpu.memory_space<hbm>> -> memref<16896x1024xf32, #tpu.memory_space<hbm>>
      tpu.enqueue_indirect_dma source(%arg6 : memref<32x1024xf32, #tpu.memory_space<vmem>>) target(%dma_start3A_1212 : memref<16896x1024xf32, #tpu.memory_space<hbm>>) offsets(%dma_start3A_1209 : memref<32xi32, #tpu.memory_space<vmem>>) semaphore(%arg13 : memref<!tpu.dma_semaphore, #tpu.memory_space<semaphore_mem>>)
      %add3A_1213 = arith.constant 1 : i32
      %add3A_1214 = arith.addi %scan3A_1195, %add3A_1213 : i32
      %lt3A = arith.constant 8 : i32
      %lt3A_1215 = arith.cmpi slt, %add3A_1214, %lt3A : i32
      %convert_element_type3A = arith.extui %lt3A_1215 : i1 to i32
      %cond3A = arith.constant 0 : i32
      %cond3A_1216 = arith.cmpi ne, %convert_element_type3A, %cond3A : i32
      scf.if %cond3A_1216 {
        %dma_wait3A_1241 = arith.constant 0 : i32
        %dma_wait3A_1242 = tpu.memref_slice %arg5[%add3A_1199, %dma_wait3A_1241] : memref<16x32xi32, #tpu.memory_space<vmem>> -> memref<1x32xi32, #tpu.memory_space<vmem>>
        %dma_wait3A_1243 = tpu.memref_squeeze %dma_wait3A_1242 : memref<1x32xi32, #tpu.memory_space<vmem>> -> memref<32xi32, #tpu.memory_space<vmem>>
        %dma_wait3A_1244 = arith.constant 0 : i32
        %dma_wait3A_1245 = arith.constant 0 : i32
        %dma_wait3A_1246 = tpu.memref_slice %arg4[%dma_wait3A_1244, %dma_wait3A_1245] : memref<16896x1024xf32, #tpu.memory_space<hbm>> -> memref<16896x1024xf32, #tpu.memory_space<hbm>>
        tpu.wait_indirect_dma semaphore(%arg13 : memref<!tpu.dma_semaphore, #tpu.memory_space<semaphore_mem>>) src(%arg6 : memref<32x1024xf32, #tpu.memory_space<vmem>>) dst(%dma_wait3A_1246 : memref<16896x1024xf32, #tpu.memory_space<hbm>>)
        %add3A_1247 = arith.constant 2 : i32
        %add3A_1248 = arith.addi %add3A_1199, %add3A_1247 : i32
        %mul3A_1249 = arith.constant 32 : i32
        %mul3A_1250 = arith.muli %add3A_1248, %mul3A_1249 : i32
        %add3A_1251 = arith.addi %mul3A_2, %mul3A_1250 : i32
        %dma_start3A_1252 = arith.constant 0 : i32
        %dma_start3A_1253 = tpu.memref_slice %arg2[%add3A_1251, %dma_start3A_1252] : memref<16384x1024xf32, #tpu.memory_space<hbm>> -> memref<32x1024xf32, #tpu.memory_space<hbm>>
        %dma_start3A_1254 = arith.constant 0 : i32
        %dma_start3A_1255 = tpu.memref_slice %arg2[%add3A_1251, %dma_start3A_1254] : memref<16384x1024xf32, #tpu.memory_space<hbm>> -> memref<32x1024xf32, #tpu.memory_space<hbm>>
        tpu.enqueue_dma source(%dma_start3A_1255 : memref<32x1024xf32, #tpu.memory_space<hbm>>) target(%arg6 : memref<32x1024xf32, #tpu.memory_space<vmem>>) target_semaphore(%arg11 : memref<!tpu.dma_semaphore, #tpu.memory_space<semaphore_mem>>)
      } else {
      }
      %mul3A_1217 = arith.constant 2 : i32
      %mul3A_1218 = arith.muli %mul3A_1217, %scan3A_1195 : i32
      %add3A_1219 = arith.constant 1 : i32
      %add3A_1220 = arith.addi %mul3A_1218, %add3A_1219 : i32
      %mul3A_1221 = arith.constant 32 : i32
      %mul3A_1222 = arith.muli %add3A_1220, %mul3A_1221 : i32
      %add3A_1223 = arith.addi %mul3A_2, %mul3A_1222 : i32
      %dma_wait3A_1224 = arith.constant 0 : i32
      %dma_wait3A_1225 = tpu.memref_slice %arg2[%add3A_1223, %dma_wait3A_1224] : memref<16384x1024xf32, #tpu.memory_space<hbm>> -> memref<32x1024xf32, #tpu.memory_space<hbm>>
      %dma_wait3A_1226 = arith.constant 0 : i32
      %dma_wait3A_1227 = tpu.memref_slice %arg2[%add3A_1223, %dma_wait3A_1226] : memref<16384x1024xf32, #tpu.memory_space<hbm>> -> memref<32x1024xf32, #tpu.memory_space<hbm>>
      tpu.wait_dma2 semaphore(%arg12 : memref<!tpu.dma_semaphore, #tpu.memory_space<semaphore_mem>>) src(%dma_wait3A_1227 : memref<32x1024xf32, #tpu.memory_space<hbm>>) dst(%arg7 : memref<32x1024xf32, #tpu.memory_space<vmem>>)
      %dma_start3A_1228 = arith.constant 0 : i32
      %dma_start3A_1229 = tpu.memref_slice %arg5[%add3A_1220, %dma_start3A_1228] : memref<16x32xi32, #tpu.memory_space<vmem>> -> memref<1x32xi32, #tpu.memory_space<vmem>>
      %dma_start3A_1230 = tpu.memref_squeeze %dma_start3A_1229 : memref<1x32xi32, #tpu.memory_space<vmem>> -> memref<32xi32, #tpu.memory_space<vmem>>
      %dma_start3A_1231 = arith.constant 0 : i32
      %dma_start3A_1232 = arith.constant 0 : i32
      %dma_start3A_1233 = tpu.memref_slice %arg4[%dma_start3A_1231, %dma_start3A_1232] : memref<16896x1024xf32, #tpu.memory_space<hbm>> -> memref<16896x1024xf32, #tpu.memory_space<hbm>>
      tpu.enqueue_indirect_dma source(%arg7 : memref<32x1024xf32, #tpu.memory_space<vmem>>) target(%dma_start3A_1233 : memref<16896x1024xf32, #tpu.memory_space<hbm>>) offsets(%dma_start3A_1230 : memref<32xi32, #tpu.memory_space<vmem>>) semaphore(%arg14 : memref<!tpu.dma_semaphore, #tpu.memory_space<semaphore_mem>>)
      %add3A_1234 = arith.constant 1 : i32
      %add3A_1235 = arith.addi %scan3A_1195, %add3A_1234 : i32
      %lt3A_1236 = arith.constant 8 : i32
      %lt3A_1237 = arith.cmpi slt, %add3A_1235, %lt3A_1236 : i32
      %convert_element_type3A_1238 = arith.extui %lt3A_1237 : i1 to i32
      %cond3A_1239 = arith.constant 0 : i32
      %cond3A_1240 = arith.cmpi ne, %convert_element_type3A_1238, %cond3A_1239 : i32
      scf.if %cond3A_1240 {
        %dma_wait3A_1241 = arith.constant 0 : i32
        %dma_wait3A_1242 = tpu.memref_slice %arg5[%add3A_1220, %dma_wait3A_1241] : memref<16x32xi32, #tpu.memory_space<vmem>> -> memref<1x32xi32, #tpu.memory_space<vmem>>
        %dma_wait3A_1243 = tpu.memref_squeeze %dma_wait3A_1242 : memref<1x32xi32, #tpu.memory_space<vmem>> -> memref<32xi32, #tpu.memory_space<vmem>>
        %dma_wait3A_1244 = arith.constant 0 : i32
        %dma_wait3A_1245 = arith.constant 0 : i32
        %dma_wait3A_1246 = tpu.memref_slice %arg4[%dma_wait3A_1244, %dma_wait3A_1245] : memref<16896x1024xf32, #tpu.memory_space<hbm>> -> memref<16896x1024xf32, #tpu.memory_space<hbm>>
        tpu.wait_indirect_dma semaphore(%arg14 : memref<!tpu.dma_semaphore, #tpu.memory_space<semaphore_mem>>) src(%arg7 : memref<32x1024xf32, #tpu.memory_space<vmem>>) dst(%dma_wait3A_1246 : memref<16896x1024xf32, #tpu.memory_space<hbm>>)
        %add3A_1247 = arith.constant 2 : i32
        %add3A_1248 = arith.addi %add3A_1220, %add3A_1247 : i32
        %mul3A_1249 = arith.constant 32 : i32
        %mul3A_1250 = arith.muli %add3A_1248, %mul3A_1249 : i32
        %add3A_1251 = arith.addi %mul3A_2, %mul3A_1250 : i32
        %dma_start3A_1252 = arith.constant 0 : i32
        %dma_start3A_1253 = tpu.memref_slice %arg2[%add3A_1251, %dma_start3A_1252] : memref<16384x1024xf32, #tpu.memory_space<hbm>> -> memref<32x1024xf32, #tpu.memory_space<hbm>>
        %dma_start3A_1254 = arith.constant 0 : i32
        %dma_start3A_1255 = tpu.memref_slice %arg2[%add3A_1251, %dma_start3A_1254] : memref<16384x1024xf32, #tpu.memory_space<hbm>> -> memref<32x1024xf32, #tpu.memory_space<hbm>>
        tpu.enqueue_dma source(%dma_start3A_1255 : memref<32x1024xf32, #tpu.memory_space<hbm>>) target(%arg7 : memref<32x1024xf32, #tpu.memory_space<vmem>>) target_semaphore(%arg12 : memref<!tpu.dma_semaphore, #tpu.memory_space<semaphore_mem>>)
      } else {
      }
    }
    %scan3A_1177 = arith.constant 8 : i32
    %dma_wait3A_1178 = arith.constant 14 : i32
    %dma_wait3A_1179 = arith.constant 0 : i32
    %dma_wait3A_1180 = tpu.memref_slice %arg5[%dma_wait3A_1178, %dma_wait3A_1179] : memref<16x32xi32, #tpu.memory_space<vmem>> -> memref<1x32xi32, #tpu.memory_space<vmem>>
    %dma_wait3A_1181 = tpu.memref_squeeze %dma_wait3A_1180 : memref<1x32xi32, #tpu.memory_space<vmem>> -> memref<32xi32, #tpu.memory_space<vmem>>
    %dma_wait3A_1182 = arith.constant 0 : i32
    %dma_wait3A_1183 = arith.constant 0 : i32
    %dma_wait3A_1184 = tpu.memref_slice %arg4[%dma_wait3A_1182, %dma_wait3A_1183] : memref<16896x1024xf32, #tpu.memory_space<hbm>> -> memref<16896x1024xf32, #tpu.memory_space<hbm>>
    tpu.wait_indirect_dma semaphore(%arg13 : memref<!tpu.dma_semaphore, #tpu.memory_space<semaphore_mem>>) src(%arg6 : memref<32x1024xf32, #tpu.memory_space<vmem>>) dst(%dma_wait3A_1184 : memref<16896x1024xf32, #tpu.memory_space<hbm>>)
    %dma_wait3A_1185 = arith.constant 15 : i32
    %dma_wait3A_1186 = arith.constant 0 : i32
    %dma_wait3A_1187 = tpu.memref_slice %arg5[%dma_wait3A_1185, %dma_wait3A_1186] : memref<16x32xi32, #tpu.memory_space<vmem>> -> memref<1x32xi32, #tpu.memory_space<vmem>>
    %dma_wait3A_1188 = tpu.memref_squeeze %dma_wait3A_1187 : memref<1x32xi32, #tpu.memory_space<vmem>> -> memref<32xi32, #tpu.memory_space<vmem>>
    %dma_wait3A_1189 = arith.constant 0 : i32
    %dma_wait3A_1190 = arith.constant 0 : i32
    %dma_wait3A_1191 = tpu.memref_slice %arg4[%dma_wait3A_1189, %dma_wait3A_1190] : memref<16896x1024xf32, #tpu.memory_space<hbm>> -> memref<16896x1024xf32, #tpu.memory_space<hbm>>
    tpu.wait_indirect_dma semaphore(%arg14 : memref<!tpu.dma_semaphore, #tpu.memory_space<semaphore_mem>>) src(%arg7 : memref<32x1024xf32, #tpu.memory_space<vmem>>) dst(%dma_wait3A_1191 : memref<16896x1024xf32, #tpu.memory_space<hbm>>)
    %dma_wait3A_1192 = arith.constant 0 : i32
    %dma_wait3A_1193 = arith.constant 0 : i32
    %dma_wait3A_1194 = tpu.memref_slice %arg4[%dma_wait3A_1192, %dma_wait3A_1193] : memref<16896x1024xf32, #tpu.memory_space<hbm>> -> memref<16896x1024xf32, #tpu.memory_space<hbm>>
    tpu.wait_indirect_dma semaphore(%arg15 : memref<!tpu.dma_semaphore, #tpu.memory_space<semaphore_mem>>) src(%arg10 : memref<16x1024xf32, #tpu.memory_space<vmem>>) dst(%dma_wait3A_1194 : memref<16896x1024xf32, #tpu.memory_space<hbm>>)
    return
  }
}

</mosaic_0001>

<sc_bundles>
// kernel: _run.3.cloned.1.call-start
scs
__scs_entry_jumppad:
0x0: {  	(pc) =	sbr.rel $0x88, $3  }
0x1: {  	(tag) =	ssettag $0x0;
	lr =	simm.s32 $0x1  }
0x2: {  	[smem:$0x3F9F] =	sst lr;
	_ =	strace $0xD0000000  }
0x3: {  	_ = 	snop  }
0x4: {  	_ = 	snop  }
0x5: {  	_ = 	snop  }
0x6: {  	_ = 	snop  }
0x7: {  	_ = 	snop  }
__scs_overlays_trampoline_lowered:
0x8: {  	[smem:$0x3FAE] =	sst s0  }
0x9: {  	[smem:$0x3FAF] =	sst s1  }
0xa: {  	[smem:$0x3FB0] =	sst s2  }
0xb: {  	[smem:$0x3FB1] =	sst s3  }
0xc: {  	[smem:$0x3FB2] =	sst s4  }
0xd: {  	[smem:$0x3FB3] =	sst s5  }
0xe: {  	[smem:$0x3FB4] =	sst s6  }
0xf: {  	[smem:$0x3FB5] =	sst s7  }
0x10: {  	[smem:$0x3FB6] =	sst s8  }
0x11: {  	[smem:$0x3FB7] =	sst s9;
	s0 =	simm.s32 @!p0 $0x0  }
0x12: {  	s1 =	sld [smem:$0x3F9D];
	s0 =	simm.s32 @p0 $0x1  }
0x13: {  	[smem:$0x3FB8] =	sst s0;
	s0 =	simm.s32 @!p1 $0x0  }
0x14: {  	s2 =	sld [smem:$0x3F9C];
	s0 =	simm.s32 @p1 $0x1  }
0x15: {  	[smem:$0x3FB9] =	sst s0;
	s0 =	simm.s32 @!p2 $0x0  }
0x16: {  	s3 =	sld [smem:$0x3FDB];
	s0 =	simm.s32 @p2 $0x1  }
0x17: {  	s4 =	simm.s32 $0x1BF5;
	[smem:$0x3FBB] =	sst s0  }
0x18: {  	s0 =	sld [smem:$0x3F9E];
	_ =	swait.ge [sflag:s4], $0x0  }
0x19: {  	s7 =	sld [smem:$0x3F9F]  }
0x1a: {  	s8 =	sadd.s32 $0xFFFFE003, lr  }
0x1b: {  	s9 =	sadd.s32 $0xFFFFFEF7, lr;
	s5 =	simm.s32 $0xFFFFFFFF;
	p2 =	slt.u32 s8, $0xFFFFF086  }
0x1c: {  	p1 =	slt.u32 s9, $0xF7A;
	s5 =	simm.s32 @!p2 $0x0  }
0x1d: {  	s5 =	simm.s32 @p1 $0x1;
	p0 =	seq.s32 s7, s2  }
0x1e: {  	s7 =	smul.u32 @!p0 $0xF7A, s2;
	p2 =	seq.s32 @!p0 s5, $0x0  }
0x1f: {  	s9 =	smul.u32 $0xF7A, s1;
	s8 =	simm.s32 @!p0 $0x1BF5;
	p2 =	por !p2, p0  }
0x20: {  	[sflag:s8] =	ssyncset.s32 @!p0 $0xFFFFF086;
	s6 =	sadd.s32 @!p0 s3, s7;
	s7 =	simm.s32 @!p0 $0x108  }
0x21: {  	s3 =	sadd.s32 s3, s9;
	s6 =	sadd.s32 @!p0 $0x88, s6;
	s7 =	simm.s32 @p2 $0x1082  }
0x22: {  	[simem:s7], [sflag:s8] =	dma.local @!p0 [hbm:s6], $0xF7A  }
0x23: {  	s9 =	sor.u32 $0xD0000000, s2;
	s6 =	simm.s32 $0x108;
	_ =	swait.ge @!p0 [sflag:s8], $0x0  }
0x24: {  	s3 =	sadd.s32 $0x88, s3;
	s6 =	simm.s32 @!p1 $0x1082;
	[sflag:s4] =	ssyncset.s32 $0xFFFFF086  }
0x25: {  	[simem:s6], [sflag:s4] =	dma.local [hbm:s3], $0xF7A  }
0x26: {  	[smem:$0x3F9F] =	sst s1;
	(tag) =	ssettag s2;
	_ =	strace s9  }
0x27: {  	s1 =	sld [smem:$0x3FAF]  }
0x28: {  	s2 =	sld [smem:$0x3FB0]  }
0x29: {  	s4 =	sld [smem:$0x3FB2]  }
0x2a: {  	p0 =	seq.s32 s5, $0x0;
	s5 =	sld [smem:$0x3FB3]  }
0x2b: {  	s6 =	sld [smem:$0x3FB4]  }
0x2c: {  	s7 =	sld [smem:$0x3FB5]  }
0x2d: {  	s3 =	simm.s32 $0x108;
	s8 =	sld [smem:$0x3FB6]  }
0x2e: {  	s3 =	simm.s32 @!p0 $0x1082;
	s9 =	sld [smem:$0x3FB7]  }
0x2f: {  	lr =	sadd.s32 s0, s3;
	s0 =	sld [smem:$0x3FAE]  }
0x30: {  	s3 =	sld [smem:$0x3FB1]  }
0x31: {  	[smem:$0x3FBA] =	sst s10  }
0x32: {  	s10 =	sld [smem:$0x3FB8];
	_ =	sdelay $0x3  }
0x33: {  	p0 =	seq.s32 s10, $0x1;
	s10 =	sld [smem:$0x3FBA];
	_ =	sdelay $0x3  }
0x34: {  	[smem:$0x3FBA] =	sst s10  }
0x35: {  	s10 =	sld [smem:$0x3FB9];
	_ =	sdelay $0x3  }
0x36: {  	p1 =	seq.s32 s10, $0x1;
	s10 =	sld [smem:$0x3FBA];
	_ =	sdelay $0x3  }
0x37: {  	[smem:$0x3FBA] =	sst s10  }
0x38: {  	s10 =	sld [smem:$0x3FBB]  }
0x39: {  	_ = 	snop;
	(pc) =	sbr.ind lr, $3  }
0x3a: {  	_ = 	snop  }
0x3b: {  	_ = 	snop  }
0x3c: {  	p2 =	seq.s32 s10, $0x1;
	s10 =	sld [smem:$0x3FBA]  }
0x3d: {  	_ =	shalt  }
0x3e: {  	_ =	shalt  }
0x3f: {  	_ =	shalt  }
0x40: {  	_ =	shalt  }
0x41: {  	_ =	shalt  }
0x42: {  	_ =	shalt  }
0x43: {  	_ =	shalt  }
0x44: {  	_ =	shalt  }
0x45: {  	_ =	shalt  }
0x46: {  	_ =	shalt  }
0x47: {  	_ =	shalt  }
0x48: {  	_ =	shalt  }
0x49: {  	_ =	shalt  }
0x4a: {  	_ =	shalt  }
0x4b: {  	_ =	shalt  }
0x4c: {  	_ =	shalt  }
0x4d: {  	_ =	shalt  }
0x4e: {  	_ =	shalt  }
0x4f: {  	_ =	shalt  }
0x50: {  	_ =	shalt  }
0x51: {  	_ =	shalt  }
0x52: {  	_ =	shalt  }
0x53: {  	_ =	shalt  }
0x54: {  	_ =	shalt  }
0x55: {  	_ =	shalt  }
0x56: {  	_ =	shalt  }
0x57: {  	_ =	shalt  }
0x58: {  	_ =	shalt  }
0x59: {  	_ =	shalt  }
0x5a: {  	_ =	shalt  }
0x5b: {  	_ =	shalt  }
0x5c: {  	_ =	shalt  }
0x5d: {  	_ =	shalt  }
0x5e: {  	_ =	shalt  }
0x5f: {  	_ =	shalt  }
0x60: {  	_ =	shalt  }
0x61: {  	_ =	shalt  }
0x62: {  	_ =	shalt  }
0x63: {  	_ =	shalt  }
0x64: {  	_ =	shalt  }
0x65: {  	_ =	shalt  }
0x66: {  	_ =	shalt  }
0x67: {  	_ =	shalt  }
0x68: {  	_ =	shalt  }
0x69: {  	_ =	shalt  }
0x6a: {  	_ =	shalt  }
0x6b: {  	_ =	shalt  }
0x6c: {  	_ =	shalt  }
0x6d: {  	_ =	shalt  }
0x6e: {  	_ =	shalt  }
0x6f: {  	_ =	shalt  }
0x70: {  	_ =	shalt  }
0x71: {  	_ =	shalt  }
0x72: {  	_ =	shalt  }
0x73: {  	_ =	shalt  }
0x74: {  	_ =	shalt  }
0x75: {  	_ =	shalt  }
0x76: {  	_ =	shalt  }
0x77: {  	_ =	shalt  }
0x78: {  	_ =	shalt  }
0x79: {  	_ =	shalt  }
0x7a: {  	_ =	shalt  }
0x7b: {  	_ =	shalt  }
0x7c: {  	_ =	shalt  }
0x7d: {  	_ =	shalt  }
0x7e: {  	_ =	shalt  }
0x7f: {  	_ =	shalt  }
0x80: {  	_ =	shalt  }
0x81: {  	_ =	shalt  }
0x82: {  	_ =	shalt  }
0x83: {  	_ =	shalt  }
0x84: {  	_ =	shalt  }
0x85: {  	_ =	shalt  }
0x86: {  	_ =	shalt  }
0x87: {  	_ =	shalt  }
.Lfunc_end0:
.L_simem_size_0:
called_computation_lowered:
.L_overlay_start_0:
0x88: {  	s2 =	sld [smem:$0x3FD9]  }
0x89: {  	s3 =	sld [smem:$0x3FFE];
	_ =	sdelay $0x1  }
0x8a: {  	s1 =	srdreg.scid  }
0x8b: {  	s0 =	sand.u32 $0x1, s1  }
0x8c: {  	s18 =	sshll.u32 s0, $0xA;
	s2 =	sadd.s32 s3, s2  }
0x8d: {  	s2 =	sadd.s32 s2, s18  }
0x8e: {  	[smem:$0x3FC6] =	sst s2  }
0x8f: {  	_ = 	snop  }
0x90: {  	s2 =	sld [smem:$0x3FC9]  }
0x91: {  	s19 =	sld [smem:$0x3FC8]  }
0x92: {  	s4 =	sld [smem:$0x3FD0];
	(tm) =	ssettm $0x1  }
0x93: {  	s5 =	sld [smem:$0x3FFB];
	_ =	sdelay $0x3  }
0x94: {  	_ =	strace s5  }
0x95: {  	s5 =	sld [smem:$0x3FFC];
	_ =	sdelay $0x3  }
0x96: {  	_ =	strace s5  }
0x97: {  	s5 =	sld [smem:$0x3FFD];
	_ =	sdelay $0x3  }
0x98: {  	_ =	strace s5  }
0x99: {  	_ =	strace $0x8FFFFFFF  }
0x9a: {  	s20 =	sld [smem:$0x3FDB];
	_ =	sdelay $0x1  }
0x9b: {  	s6 =	simm.s32 $_scs_section_size  }
0x9c: {  	s7 =	simm.s32 $_size__tile_overlayer_lowered;
	s8 =	simm.s32 $_tile_overlayer_lowered  }
0x9d: {  	s23 =	simm.s32 $0x1BFF;
	s22 =	sshll.u32 s8, $0x1;
	s5 =	sadd.s32 s6, s20  }
0x9e: {  	s9 =	simm.s32 $0x0;
	s21 =	sshll.u32 s7, $0x1;
	s7 =	sadd.s32 s22, s5  }
0x9f: {  	[timem:s9], [sflag:s23] =	dma.local [hbm:s7], s21  }
0xa0: {  	_ =	swait.ge [sflag:s23], s21  }
0xa1: {  	s6 =	ssub.s32 $0x0, s21;
	[sflag:s23] =	ssyncset.done $0x0  }
0xa2: {  	[sflag:s23] =	ssyncadd.s32 s6;
	_ =	sdelay $0x1  }
0xa3: {  	s24 =	simm.s32 $0x1B8B  }
0xa4: {  	_ =	swait.ge [sflag:s24], $0x1  }
0xa5: {  	[sflag:s24] =	ssyncset.done $0x0  }
0xa6: {  	s25 =	simm.s32 $0x1B8E;
	[sflag:s24] =	ssyncadd.s32 $0xFFFFFFFF  }
0xa7: {  	s26 =	simm.s32 $execute0_lowered;
	[smem:$0x3FD2] =	sst s25  }
0xa8: {  	s6 =	sshll.u32 s26, $0x1;
	_ =	strace $0x80000046;
	[dreg:$0x1] =	wrdreg $0xFFFFFFFF  }
0xa9: {  	s28 =	simm.s32 $_size_execute0_lowered;
	s5 =	sadd.s32 s5, s6;
	[dreg:$0x0] =	wrdreg $0x0  }
0xaa: {  	s6 =	sshll.u32 s28, $0x1;
	[dreg:$0x2] =	wrdreg s5  }
0xab: {  	[dreg:$0x3] =	wrdreg s6  }
0xac: {  	[dreg:$0x4] =	wrdreg $0xC0  }
0xad: {  	_ =	task [dreg:s9], $0x5FFFF  }
0xae: {  	[dreg:$0x1] =	wrdreg $0xFFFFFFFF  }
0xaf: {  	[dreg:$0x0] =	wrdreg $0x60  }
0xb0: {  	[dreg:$0x2] =	wrdreg s2  }
0xb1: {  	[dreg:$0x3] =	wrdreg s19  }
0xb2: {  	[dreg:$0x4] =	wrdreg s4  }
0xb3: {  	[dreg:$0x5] =	wrdreg $0x9  }
0xb4: {  	_ =	task.clear_ibuf [dreg:s9], $0x6FFFF;
	_ =	strace $0x90000046  }
0xb5: {  	s29 =	simm.s32 $0x9;
	_ =	strace $0x80000048  }
0xb6: {  	_ =	swait.ge [sflag:s29], $0x1  }
0xb7: {  	[sflag:s29] =	ssyncadd.s32 $0xFFFFFFFF  }
0xb8: {  	_ =	strace $0x90000048  }
0xb9: {  	_ =	sfence  }
0xba: {  	s30 =	sld [smem:$0x0];
	_ =	sdelay $0x2  }
0xbb: {  	s31 =	sshll.u32 s1, $0xD;
	s1 =	sshrl.u32 s1, $0x2  }
0xbc: {  	s3 =	sand.u32 $0x4000, s31;
	s1 =	sadd.s32 s1, s30  }
0xbd: {  	s0 =	sor.u32 s3, s0;
	s1 =	sshll.u32 s1, $0x11  }
0xbe: {  	s0 =	sor.u32 s1, s0  }
0xbf: {  	s0 =	sadd.s32 $0x8F2B, s0  }
0xc0: {  	[sflag:s0] =	ssyncadd.remote.s32 $0x1  }
0xc1: {  	_ =	sfence.sel $0xFFFF  }
0xc2: {  	[dreg:$0x0] =	wrdreg $0xFFFFFFFF;
	(pc) =	sbr.abs _section_cstart, $3  }
0xc3: {  	[dreg:$0x1] =	wrdreg $0xFFFFFFFF  }
0xc4: {  	_ =	task.clear_ibuf [dreg:s9], $0x2FFFF;
	_ =	strace $0x9FFFFFFF  }
0xc5: {  	(tm) =	ssettm $0x7FFFFFFF  }
tec
execute0_lowered:
.L_overlay_start_1:
0x0: {  	(tag) =	ssettag $0x1  }
0x1: {  	s0 =	srdreg.scid;
	s11 =	stileid.u32  }
0x2: {  	s1 =	sand.u32 $0x1, s0;
	s9 =	sshll.u32 s11, $0x1  }
0x3: {  	v10 =	vlaneseq.u32;
	s3 =	sor.u32 s1, s9  }
0x4: {  	vm0 =	vmmov $0xffff;
	v11 =	vadd.s32 $0x1, v10;
	s0 =	sshll.u32 s3, $0x4  }
0x5: {  	v63 =	vshrl.u32 v10, $0x3;
	s2 =	sshll.u32 s3, $0x9;
	v0 =	vmov s0;
	v1 =	vor.u32 s0, v10  }
0x6: {  	v4 =	vor.u32 s2, v10;
	s10 =	sor.u32 $0x10, s2;
	s12 =	sor.u32 $0x30, s2;
	v2 =	vshrl.u32 v0, $0x7;
	v0 =	vand.u32 $0x7F, v1  }
0x7: {  	s4 =	sor.u32 $0x40, s2;
	s13 =	sor.u32 $0x50, s2;
	v4 =	vand.u32 $0xE0F, v4;
	v5 =	vmov s10;
	v6 =	vor.u32 s12, v10  }
0x8: {  	s15 =	sor.u32 $0x70, s2;
	s17 =	sor.u32 $0x90, s2;
	v7 =	vmov s12;
	v8 =	vor.u32 s4, v10;
	v9 =	vmov s13  }
0x9: {  	s18 =	sor.u32 $0xA0, s2;
	s19 =	sor.u32 $0xB0, s2;
	v12 =	vor.u32 s15, v10;
	v13 =	vmov s15;
	v14 =	vor.u32 s17, v10  }
0xa: {  	s21 =	sor.u32 $0xD0, s2;
	s22 =	sor.u32 $0xE0, s2;
	v15 =	vmov s17;
	v16 =	vor.u32 s18, v10;
	v17 =	vor.u32 s19, v10  }
0xb: {  	s24 =	sor.u32 $0x100, s2;
	s25 =	sor.u32 $0x110, s2;
	v18 =	vmov s19;
	v19 =	vor.u32 s21, v10;
	v20 =	vor.u32 s22, v10  }
0xc: {  	s5 =	sor.u32 $0x130, s2;
	s6 =	sor.u32 $0x140, s2;
	v21 =	vmov s22;
	v22 =	vor.u32 s24, v10;
	v23 =	vor.u32 s25, v10  }
0xd: {  	s9 =	sor.u32 $0x160, s2;
	v24 =	vmov s25;
	v25 =	vor.u32 s5, v10;
	v26 =	vor.u32 s6, v10  }
0xe: {  	v27 =	vmov s6;
	v28 =	vor.u32 s9, v10;
	v1 =	vmul.u32 $0x1080, v2  }
0xf: {  	v2 =	vmul.u32 $0x21, v0;
	v3 =	vmul.u32 $0x20420, v0;
	v6 =	vand.u32 $0xE3F, v6  }
0x10: {  	v7 =	vshrl.u32 v7, $0x5;
	v8 =	vand.u32 $0xE4F, v8;
	v12 =	vand.u32 $0xE7F, v12  }
0x11: {  	v14 =	vand.u32 $0xE9F, v14;
	v17 =	vand.u32 $0xEBF, v17;
	v20 =	vand.u32 $0xEEF, v20  }
0x12: {  	v23 =	vand.u32 $0xF1F, v23;
	v26 =	vand.u32 $0xF4F, v26;
	v6 =	vmul.u32 $0x7F, v6  }
0x13: {  	v7 =	vand.u32 $0x3FFFF80, v7;
	v12 =	vmul.u32 $0x7F, v12;
	v14 =	vmul.u32 $0x7F, v14  }
0x14: {  	v17 =	vmul.u32 $0x7F, v17;
	v20 =	vmul.u32 $0x7F, v20;
	v23 =	vmul.u32 $0x7F, v23  }
0x15: {  	v26 =	vmul.u32 $0x7F, v26;
	v1 =	vadd.s32 v1, v2;
	v2 =	vshrl.u32 v3, $0x13  }
0x16: {  	v3 =	vmul.u32 $0x7F, v4;
	v4 =	vor.u32 s10, v10;
	v7 =	vadd.s32 s12, v7  }
0x17: {  	v1 =	vadd.s32 v2, v1;
	v2 =	vmov s2;
	v4 =	vand.u32 $0xE1F, v4  }
0x18: {  	v6 =	vadd.s32 $0x7E, v6;
	v12 =	vadd.s32 $0x7E, v12;
	v2 =	vshrl.u32 v2, $0x5  }
0x19: {  	v14 =	vadd.s32 $0x7E, v14;
	v3 =	vadd.s32 $0x7E, v3;
	v2 =	vand.u32 $0x3FFFF80, v2  }
0x1a: {  	v4 =	vmul.u32 $0x7F, v4;
	v3 =	vshrl.u32 v3, $0xC;
	v2 =	vadd.s32 s2, v2  }
0x1b: {  	s8 =	sor.u32 $0x20, s2;
	v6 =	vshrl.u32 v6, $0xC;
	v2 =	vadd.s32 v2, v3;
	v3 =	vshrl.u32 v5, $0x5  }
0x1c: {  	v4 =	vadd.s32 $0x7E, v4;
	v5 =	vor.u32 s8, v10;
	v3 =	vand.u32 $0x3FFFF80, v3  }
0x1d: {  	v4 =	vshrl.u32 v4, $0xC;
	v5 =	vand.u32 $0xE2F, v5;
	v3 =	vadd.s32 s10, v3  }
0x1e: {  	v5 =	vmul.u32 $0x7F, v5;
	v3 =	vadd.s32 v4, v3;
	v4 =	vmov s8  }
0x1f: {  	v12 =	vshrl.u32 v12, $0xC;
	v14 =	vshrl.u32 v14, $0xC;
	v4 =	vshrl.u32 v4, $0x5  }
0x20: {  	v2 =	vadd.s32 v11, v2;
	s10 =	sor.u32 $0x170, s2;
	v5 =	vadd.s32 $0x7E, v5;
	v4 =	vand.u32 $0x3FFFF80, v4  }
0x21: {  	v29 =	vor.u32 s10, v10;
	v5 =	vshrl.u32 v5, $0xC;
	v4 =	vadd.s32 s8, v4  }
0x22: {  	v30 =	vmov s10;
	v3 =	vadd.s32 v11, v3;
	v4 =	vadd.s32 v4, v5  }
0x23: {  	v5 =	vadd.s32 v6, v7;
	v6 =	vmul.u32 $0x7F, v8;
	v7 =	vmov s4  }
0x24: {  	v29 =	vand.u32 $0xF7F, v29;
	v8 =	vor.u32 s13, v10;
	v7 =	vshrl.u32 v7, $0x5  }
0x25: {  	v8 =	vand.u32 $0xE5F, v8;
	v6 =	vadd.s32 $0x7E, v6;
	v7 =	vand.u32 $0x3FFFF80, v7  }
0x26: {  	v8 =	vmul.u32 $0x7F, v8;
	v6 =	vshrl.u32 v6, $0xC;
	v7 =	vadd.s32 s4, v7  }
0x27: {  	s14 =	sor.u32 $0x60, s2;
	v29 =	vmul.u32 $0x7F, v29;
	v6 =	vadd.s32 v7, v6;
	v7 =	vshrl.u32 v9, $0x5  }
0x28: {  	v9 =	vor.u32 s14, v10;
	v8 =	vadd.s32 $0x7E, v8;
	v7 =	vand.u32 $0x3FFFF80, v7  }
0x29: {  	v9 =	vand.u32 $0xE6F, v9;
	v8 =	vshrl.u32 v8, $0xC;
	v7 =	vadd.s32 s13, v7  }
0x2a: {  	v9 =	vmul.u32 $0x7F, v9;
	v7 =	vadd.s32 v8, v7;
	v8 =	vmov s14  }
0x2b: {  	v4 =	vadd.s32 v11, v4;
	v5 =	vadd.s32 v11, v5;
	v8 =	vshrl.u32 v8, $0x5  }
0x2c: {  	v6 =	vadd.s32 v11, v6;
	s13 =	sor.u32 $0x190, s2;
	v9 =	vadd.s32 $0x7E, v9;
	v8 =	vand.u32 $0x3FFFF80, v8  }
0x2d: {  	v31 =	vor.u32 s13, v10;
	v9 =	vshrl.u32 v9, $0xC;
	v8 =	vadd.s32 s14, v8  }
0x2e: {  	s16 =	sor.u32 $0x80, s2;
	v7 =	vadd.s32 v11, v7;
	s14 =	sor.u32 $0x1A0, s2;
	v8 =	vadd.s32 v8, v9;
	v9 =	vshrl.u32 v13, $0x5  }
0x2f: {  	v13 =	vor.u32 s16, v10;
	v32 =	vor.u32 s14, v10;
	v9 =	vand.u32 $0x3FFFF80, v9  }
0x30: {  	v33 =	vmov s14;
	v13 =	vand.u32 $0xE8F, v13;
	v9 =	vadd.s32 s15, v9  }
0x31: {  	v13 =	vmul.u32 $0x7F, v13;
	v9 =	vadd.s32 v12, v9;
	v12 =	vmov s16  }
0x32: {  	v8 =	vadd.s32 v11, v8;
	v32 =	vand.u32 $0xFAF, v32;
	v12 =	vshrl.u32 v12, $0x5  }
0x33: {  	v32 =	vmul.u32 $0x7F, v32;
	s15 =	sor.u32 $0x1B0, s2;
	v13 =	vadd.s32 $0x7E, v13;
	v12 =	vand.u32 $0x3FFFF80, v12  }
0x34: {  	v51 =	vor.u32 s15, v10;
	v13 =	vshrl.u32 v13, $0xC;
	v12 =	vadd.s32 s16, v12  }
0x35: {  	v52 =	vmov s15;
	v9 =	vadd.s32 v11, v9;
	v12 =	vadd.s32 v12, v13  }
0x36: {  	s16 =	sor.u32 $0x1C0, s2;
	v13 =	vshrl.u32 v15, $0x5;
	v15 =	vand.u32 $0xEAF, v16;
	v16 =	vmov s18  }
0x37: {  	v34 =	vor.u32 s16, v10;
	v54 =	vmov s16;
	v13 =	vand.u32 $0x3FFFF80, v13  }
0x38: {  	v15 =	vmul.u32 $0x7F, v15;
	v16 =	vshrl.u32 v16, $0x5;
	v53 =	vand.u32 $0xFCF, v34  }
0x39: {  	v34 =	vshrl.u32 v54, $0x5;
	v12 =	vadd.s32 v11, v12;
	v13 =	vadd.s32 s17, v13  }
0x3a: {  	v16 =	vand.u32 $0x3FFFF80, v16;
	s17 =	sor.u32 $0x1D0, s2;
	v34 =	vand.u32 $0x3FFFF80, v34;
	v15 =	vadd.s32 $0x7E, v15  }
0x3b: {  	v16 =	vadd.s32 s18, v16;
	v13 =	vadd.s32 v14, v13;
	v35 =	vor.u32 s17, v10  }
0x3c: {  	v34 =	vadd.s32 s16, v34;
	v36 =	vmov s17;
	v15 =	vshrl.u32 v15, $0xC  }
0x3d: {  	v35 =	vand.u32 $0xFDF, v35;
	v56 =	vshrl.u32 v36, $0x5;
	v13 =	vadd.s32 v11, v13  }
0x3e: {  	s20 =	sor.u32 $0xC0, s2;
	v14 =	vadd.s32 v16, v15;
	v15 =	vshrl.u32 v18, $0x5;
	v16 =	vadd.s32 $0x7E, v17  }
0x3f: {  	v17 =	vor.u32 s20, v10;
	v18 =	vmov s20;
	v35 =	vmul.u32 $0x7F, v35  }
0x40: {  	v15 =	vand.u32 $0x3FFFF80, v15;
	v16 =	vshrl.u32 v16, $0xC;
	v17 =	vand.u32 $0xECF, v17  }
0x41: {  	v14 =	vadd.s32 v11, v14;
	v15 =	vadd.s32 s19, v15;
	v17 =	vmul.u32 $0x7F, v17  }
0x42: {  	v57 =	vadd.s32 $0x7E, v35;
	v15 =	vadd.s32 v16, v15;
	v16 =	vshrl.u32 v18, $0x5  }
0x43: {  	v18 =	vand.u32 $0xEDF, v19;
	v19 =	vmov s21;
	v16 =	vand.u32 $0x3FFFF80, v16  }
0x44: {  	v17 =	vadd.s32 $0x7E, v17;
	v18 =	vmul.u32 $0x7F, v18;
	v19 =	vshrl.u32 v19, $0x5  }
0x45: {  	v15 =	vadd.s32 v11, v15;
	v17 =	vshrl.u32 v17, $0xC;
	v16 =	vadd.s32 s20, v16  }
0x46: {  	v19 =	vand.u32 $0x3FFFF80, v19;
	v18 =	vadd.s32 $0x7E, v18;
	v16 =	vadd.s32 v16, v17  }
0x47: {  	v19 =	vadd.s32 s21, v19;
	v18 =	vshrl.u32 v18, $0xC;
	v16 =	vadd.s32 v11, v16  }
0x48: {  	s23 =	sor.u32 $0xF0, s2;
	v17 =	vadd.s32 v18, v19;
	v18 =	vshrl.u32 v21, $0x5;
	v19 =	vadd.s32 $0x7E, v20  }
0x49: {  	v20 =	vor.u32 s23, v10;
	v21 =	vmov s23;
	v18 =	vand.u32 $0x3FFFF80, v18  }
0x4a: {  	v19 =	vshrl.u32 v19, $0xC;
	v20 =	vand.u32 $0xEFF, v20;
	v18 =	vadd.s32 s22, v18  }
0x4b: {  	v17 =	vadd.s32 v11, v17;
	v20 =	vmul.u32 $0x7F, v20;
	v18 =	vadd.s32 v18, v19  }
0x4c: {  	s22 =	sor.u32 $0x1E0, s2;
	v19 =	vshrl.u32 v21, $0x5;
	v21 =	vand.u32 $0xF0F, v22;
	v22 =	vmov s24  }
0x4d: {  	v58 =	vor.u32 s22, v10;
	v59 =	vmov s22;
	v19 =	vand.u32 $0x3FFFF80, v19  }
0x4e: {  	v20 =	vadd.s32 $0x7E, v20;
	v21 =	vmul.u32 $0x7F, v21;
	v22 =	vshrl.u32 v22, $0x5  }
0x4f: {  	v35 =	vand.u32 $0xFEF, v58;
	v36 =	vshrl.u32 v59, $0x5;
	v18 =	vadd.s32 v11, v18  }
0x50: {  	v20 =	vshrl.u32 v20, $0xC;
	v19 =	vadd.s32 s23, v19;
	v22 =	vand.u32 $0x3FFFF80, v22  }
0x51: {  	s23 =	sor.u32 $0x1F0, s2;
	v35 =	vmul.u32 $0x7F, v35;
	v60 =	vand.u32 $0x3FFFF80, v36;
	v21 =	vadd.s32 $0x7E, v21  }
0x52: {  	v22 =	vadd.s32 s24, v22;
	v19 =	vadd.s32 v20, v19;
	v61 =	vmov s23  }
0x53: {  	v62 =	vor.u32 s23, v10;
	v21 =	vshrl.u32 v21, $0xC;
	v35 =	vadd.s32 $0x7E, v35  }
0x54: {  	s26 =	sor.u32 $0x120, s2;
	v36 =	vshrl.u32 v61, $0x5;
	v19 =	vadd.s32 v11, v19;
	v20 =	vadd.s32 v22, v21  }
0x55: {  	v21 =	vshrl.u32 v24, $0x5;
	v22 =	vadd.s32 $0x7E, v23;
	v23 =	vor.u32 s26, v10  }
0x56: {  	v24 =	vmov s26;
	v35 =	vshrl.u32 v35, $0xC;
	v36 =	vand.u32 $0x3FFFF80, v36  }
0x57: {  	v21 =	vand.u32 $0x3FFFF80, v21;
	v22 =	vshrl.u32 v22, $0xC;
	v23 =	vand.u32 $0xF2F, v23  }
0x58: {  	v36 =	vadd.s32 s23, v36;
	v20 =	vadd.s32 v11, v20;
	v21 =	vadd.s32 s25, v21  }
0x59: {  	v23 =	vmul.u32 $0x7F, v23;
	v21 =	vadd.s32 v22, v21;
	v22 =	vshrl.u32 v24, $0x5  }
0x5a: {  	v24 =	vand.u32 $0xF3F, v25;
	v25 =	vmov s5;
	v22 =	vand.u32 $0x3FFFF80, v22  }
0x5b: {  	v23 =	vadd.s32 $0x7E, v23;
	v24 =	vmul.u32 $0x7F, v24;
	v25 =	vshrl.u32 v25, $0x5  }
0x5c: {  	v21 =	vadd.s32 v11, v21;
	v23 =	vshrl.u32 v23, $0xC;
	v22 =	vadd.s32 s26, v22  }
0x5d: {  	v25 =	vand.u32 $0x3FFFF80, v25;
	v24 =	vadd.s32 $0x7E, v24;
	v22 =	vadd.s32 v22, v23  }
0x5e: {  	v25 =	vadd.s32 s5, v25;
	v24 =	vshrl.u32 v24, $0xC;
	v22 =	vadd.s32 v11, v22  }
0x5f: {  	s7 =	sor.u32 $0x150, s2;
	v23 =	vadd.s32 v24, v25;
	v24 =	vshrl.u32 v27, $0x5;
	v25 =	vadd.s32 $0x7E, v26  }
0x60: {  	v26 =	vor.u32 s7, v10;
	v27 =	vmov s7;
	v24 =	vand.u32 $0x3FFFF80, v24  }
0x61: {  	v25 =	vshrl.u32 v25, $0xC;
	v26 =	vand.u32 $0xF5F, v26;
	v24 =	vadd.s32 s6, v24  }
0x62: {  	v23 =	vadd.s32 v11, v23;
	v26 =	vmul.u32 $0x7F, v26;
	v24 =	vadd.s32 v24, v25  }
0x63: {  	v25 =	vshrl.u32 v27, $0x5;
	v27 =	vand.u32 $0xF6F, v28;
	v28 =	vmov s9  }
0x64: {  	v25 =	vand.u32 $0x3FFFF80, v25;
	v26 =	vadd.s32 $0x7E, v26;
	v27 =	vmul.u32 $0x7F, v27  }
0x65: {  	v28 =	vshrl.u32 v28, $0x5;
	v24 =	vadd.s32 v11, v24;
	v26 =	vshrl.u32 v26, $0xC  }
0x66: {  	v25 =	vadd.s32 s7, v25;
	v28 =	vand.u32 $0x3FFFF80, v28;
	v27 =	vadd.s32 $0x7E, v27  }
0x67: {  	v28 =	vadd.s32 s9, v28;
	v25 =	vadd.s32 v26, v25;
	v27 =	vshrl.u32 v27, $0xC  }
0x68: {  	s12 =	sor.u32 $0x180, s2;
	v25 =	vadd.s32 v11, v25;
	v26 =	vadd.s32 v28, v27;
	v27 =	vshrl.u32 v30, $0x5  }
0x69: {  	v28 =	vadd.s32 $0x7E, v29;
	v29 =	vor.u32 s12, v10;
	v30 =	vmov s12  }
0x6a: {  	v27 =	vand.u32 $0x3FFFF80, v27;
	v28 =	vshrl.u32 v28, $0xC;
	v29 =	vand.u32 $0xF8F, v29  }
0x6b: {  	v26 =	vadd.s32 v11, v26;
	v27 =	vadd.s32 s10, v27;
	v29 =	vmul.u32 $0x7F, v29  }
0x6c: {  	v27 =	vadd.s32 v28, v27;
	v28 =	vshrl.u32 v30, $0x5;
	v30 =	vand.u32 $0xF9F, v31  }
0x6d: {  	v31 =	vmov s13;
	v29 =	vadd.s32 $0x7E, v29;
	v30 =	vmul.u32 $0x7F, v30  }
0x6e: {  	v28 =	vand.u32 $0x3FFFF80, v28;
	v31 =	vshrl.u32 v31, $0x5;
	v29 =	vshrl.u32 v29, $0xC  }
0x6f: {  	v28 =	vadd.s32 s12, v28;
	v31 =	vand.u32 $0x3FFFF80, v31;
	v30 =	vadd.s32 $0x7E, v30  }
0x70: {  	s28 =	simm.s32 $0xD000;
	s29 =	simm.s32 $0xE800;
	s30 =	simm.s32 $0xF000;
	v31 =	vadd.s32 s13, v31;
	v28 =	vadd.s32 v28, v29;
	v30 =	vshrl.u32 v30, $0xC  }
0x71: {  	s31 =	simm.s32 $0xF800;
	s3 =	sshll.u32 s3, $0x10;
	s0 =	simm.s32 $0x0;
	v29 =	vadd.s32 v30, v31;
	v30 =	vshrl.u32 v33, $0x5;
	v33 =	vmul.u32 $0x7F, v53  }
0x72: {  	s21 =	sshll.u32 s8, $0x7;
	s24 =	sshll.u32 s11, $0x11;
	s5 =	rddreg [dreg:$0x0];
	v27 =	vadd.s32 v11, v27;
	v28 =	vadd.s32 v11, v28;
	v31 =	vadd.s32 $0x7E, v32  }
0x73: {  	s6 =	rddreg [dreg:$0x2];
	s7 =	simm.s32 $0x0;
	s9 =	ssub.s32 $0x2, s1;
	v32 =	vand.u32 $0xFBF, v51;
	v30 =	vand.u32 $0x3FFFF80, v30;
	v33 =	vadd.s32 $0x7E, v33  }
0x74: {  	s23 =	simm.s32 $0xD800;
	[smem:$0x7FF] =	sst s7;
	s10 =	sshrl.u32 s9, $0x1;
	v31 =	vshrl.u32 v31, $0xC;
	v32 =	vmul.u32 $0x7F, v32;
	v33 =	vshrl.u32 v33, $0xC  }
0x75: {  	s3 =	sadd.s32 s5, s3;
	s9 =	ssub.s32 s9, s10;
	s12 =	rddreg [dreg:$0x1];
	v29 =	vadd.s32 v11, v29;
	v55 =	vadd.s32 v34, v33;
	v33 =	vand.u32 $0x3FFFF80, v56  }
0x76: {  	s25 =	smax.u32 s9, $0x1;
	_ =	strace $0x80000047;
	[dreg:$0x7] =	wrdreg s3;
	v30 =	vadd.s32 s14, v30;
	v34 =	vshrl.u32 v57, $0xC;
	v33 =	vadd.s32 s17, v33  }
0x77: {  	s2 =	sadd.s32 $0x100, s6;
	s3 =	sadd.s32 s5, s21;
	[dreg:$0x9] =	wrdreg s25;
	v30 =	vadd.s32 v30, v31;
	v33 =	vadd.s32 v34, v33;
	v34 =	vadd.s32 s22, v60  }
0x78: {  	s1 =	sshll.u32 s1, $0x10;
	s18 =	sadd.s32 $0x100, s12;
	[dreg:$0x8] =	wrdreg s3;
	v31 =	vshrl.u32 v52, $0x5;
	v34 =	vadd.s32 v34, v35;
	v35 =	vand.u32 $0xFFF, v62  }
0x79: {  	s5 =	sadd.s32 s24, s5;
	s19 =	sadd.s32 $0x200, s12;
	[dreg:$0x4] =	wrdreg s18;
	v32 =	vadd.s32 $0x7E, v32;
	v31 =	vand.u32 $0x3FFFF80, v31;
	v35 =	vmul.u32 $0x7F, v35  }
0x7a: {  	s25 =	simm.s32 $0xC800;
	s20 =	sadd.s32 $0x300, s12;
	[dreg:$0x5] =	wrdreg s19;
	v32 =	vshrl.u32 v32, $0xC;
	v30 =	vadd.s32 v11, v30;
	v31 =	vadd.s32 s15, v31  }
0x7b: {  	s24 =	simm.s32 $0xE000;
	s26 =	sadd.s32 s1, s5;
	[dreg:$0x6] =	wrdreg s20;
	v31 =	vadd.s32 v32, v31;
	v32 =	vadd.s32 v11, v55;
	v35 =	vadd.s32 $0x7E, v35  }
0x7c: {  	s12 =	sadd.s32 $0x200, s6;
	s13 =	sadd.s32 $0x300, s6;
	[dreg:$0xa] =	wrdreg s26;
	v31 =	vadd.s32 v11, v31;
	v33 =	vadd.s32 v11, v33;
	v35 =	vshrl.u32 v35, $0xC  }
0x7d: {  	s26 =	simm.s32 $0x1;
	s20 =	simm.s32 $0x2;
	s18 =	simm.s32 $0x9000;
	v34 =	vadd.s32 v11, v34;
	v35 =	vadd.s32 v35, v36;
	v36 =	vmul.u32 $0x8, v63  }
0x7e: {  	s19 =	simm.s32 $0x9800;
	s14 =	simm.s32 $0xA000;
	s22 =	simm.s32 $0xA800;
	v11 =	vadd.s32 v11, v35;
	v35 =	vand.u32 $0x7, v10;
	v10 =	vor.u32 $0x8, v10  }
.LBB2_1:
0x7f: {  	[tilespmem:$0x10800] =	vst v0  }
0x80: {  	v37 =	vld [tilespmem:$0x10800];
	_ =	sdelay $0x4  }
0x81: {  	v38 =	vshll.u32 v37, $0x3  }
0x82: {  	v37 =	vand.u32 $0x7, v37;
	v38 =	vand.u32 $0xFFFFFFC0, v38  }
0x83: {  	v37 =	vor.u32 v37, v38  }
0x84: {  	v38 =	vperm.xlane v37, v35;
	_ =	sdelay $0x1  }
0x85: {  	v38 =	vadd.s32 v36, v38;
	_ =	sdelay $0x3  }
0x86: {  	[tilespmem:$0x10880] =	vst v1;
	s1 =	rddreg [dreg:$0x1];
	s3 =	simm.s32 $0x10900  }
0x87: {  	[tilespmem:s3], [sflag:$0x5] =	stream.indirect_vreg.gather [hbm4b:s1+s7], $0x80, v38, vm0, $0xb8;
	[tilespmem:$0x14900] =	vst v63  }
0x88: {  	s8 =	rddreg [dreg:$0x4];
	s17 =	simm.s32 $0x11100;
	v37 =	vperm.xlane v37, v10  }
0x89: {  	[tilespmem:s17], [sflag:$0x5] =	stream.indirect_vreg.gather [hbm4b:s8+s7], $0x80, v38, vm0, $0xb8;
	[tilespmem:$0x14900] =	vst v63  }
0x8a: {  	s11 =	rddreg [dreg:$0x5];
	s4 =	simm.s32 $0x11900;
	v37 =	vadd.s32 v36, v37  }
0x8b: {  	[tilespmem:s4], [sflag:$0x5] =	stream.indirect_vreg.gather [hbm4b:s11+s7], $0x80, v38, vm0, $0xb8;
	[tilespmem:$0x14900] =	vst v63  }
0x8c: {  	s15 =	rddreg [dreg:$0x6];
	s5 =	simm.s32 $0x12100  }
0x8d: {  	[tilespmem:s5], [sflag:$0x5] =	stream.indirect_vreg.gather [hbm4b:s15+s7], $0x80, v38, vm0, $0xb8;
	[tilespmem:$0x14900] =	vst v63  }
0x8e: {  	s9 =	simm.s32 $0x12900  }
0x8f: {  	[tilespmem:s9], [sflag:$0x5] =	stream.indirect_vreg.gather [hbm4b:s1+s7], $0x80, v37, vm0, $0xb8;
	[tilespmem:$0x14900] =	vst v63  }
0x90: {  	s10 =	simm.s32 $0x13100  }
0x91: {  	[tilespmem:s10], [sflag:$0x5] =	stream.indirect_vreg.gather [hbm4b:s8+s7], $0x80, v37, vm0, $0xb8;
	[tilespmem:$0x14900] =	vst v63  }
0x92: {  	s8 =	simm.s32 $0x13900  }
0x93: {  	[tilespmem:s8], [sflag:$0x5] =	stream.indirect_vreg.gather [hbm4b:s11+s7], $0x80, v37, vm0, $0xb8;
	[tilespmem:$0x14900] =	vst v63  }
0x94: {  	s11 =	simm.s32 $0x14100  }
0x95: {  	[tilespmem:s11], [sflag:$0x5] =	stream.indirect_vreg.gather [hbm4b:s15+s7], $0x80, v37, vm0, $0xb8;
	[tilespmem:$0x14900] =	vst v63  }
0x96: {  	s21 =	simm.s32 $0x800;
	s15 =	rddreg [dreg:$0x7]  }
0x97: {  	[tilespmem:s21], [sflag:$0x1] =	stream.linear.gather [hbm4b:s15+s7], $0x8000, $0x38;
	[tilespmem:$0x14900] =	vst v63  }
0x98: {  	s15 =	rddreg [dreg:$0x8];
	s21 =	simm.s32 $0x8800  }
0x99: {  	[tilespmem:s21], [sflag:$0x2] =	stream.linear.gather [hbm4b:s15+s7], $0x8000, $0x38;
	[tilespmem:$0x14900] =	vst v63  }
0x9a: {  	[tilespmem:$0x0] =	vst v2  }
0x9b: {  	[tilespmem:$0x10] =	vst v3  }
0x9c: {  	[tilespmem:$0x80] =	vst v4  }
0x9d: {  	[tilespmem:$0x90] =	vst v5  }
0x9e: {  	[tilespmem:$0x100] =	vst v6  }
0x9f: {  	[tilespmem:$0x110] =	vst v7  }
0xa0: {  	[tilespmem:$0x180] =	vst v8  }
0xa1: {  	[tilespmem:$0x190] =	vst v9  }
0xa2: {  	[tilespmem:$0x200] =	vst v12  }
0xa3: {  	[tilespmem:$0x210] =	vst v13  }
0xa4: {  	[tilespmem:$0x280] =	vst v14  }
0xa5: {  	[tilespmem:$0x290] =	vst v15  }
0xa6: {  	[tilespmem:$0x300] =	vst v16  }
0xa7: {  	[tilespmem:$0x310] =	vst v17  }
0xa8: {  	[tilespmem:$0x380] =	vst v18  }
0xa9: {  	[tilespmem:$0x390] =	vst v19  }
0xaa: {  	[tilespmem:$0x400] =	vst v20  }
0xab: {  	[tilespmem:$0x410] =	vst v21  }
0xac: {  	[tilespmem:$0x480] =	vst v22  }
0xad: {  	[tilespmem:$0x490] =	vst v23  }
0xae: {  	[tilespmem:$0x500] =	vst v24  }
0xaf: {  	[tilespmem:$0x510] =	vst v25  }
0xb0: {  	[tilespmem:$0x580] =	vst v26  }
0xb1: {  	[tilespmem:$0x590] =	vst v27  }
0xb2: {  	[tilespmem:$0x600] =	vst v28  }
0xb3: {  	[tilespmem:$0x610] =	vst v29  }
0xb4: {  	[tilespmem:$0x680] =	vst v30  }
0xb5: {  	[tilespmem:$0x690] =	vst v31  }
0xb6: {  	[tilespmem:$0x700] =	vst v32  }
0xb7: {  	[tilespmem:$0x710] =	vst v33  }
0xb8: {  	[tilespmem:$0x780] =	vst v34  }
0xb9: {  	[dreg:$0xb] =	wrdreg s0;
	s16 =	simm.s32 $0x5;
	[tilespmem:$0x790] =	vst v11  }
0xba: {  	_ =	swait.ge [sflag:s16], $0x4000  }
0xbb: {  	[sflag:s16] =	ssyncset.done $0x0  }
0xbc: {  	[sflag:s16] =	ssyncadd.s32 $0xFFFFC000  }
0xbd: {  	v62 =	vld [tilespmem:$0x10880];
	_ =	sdelay $0x4  }
0xbe: {  	v63 =	vshll.u32 v62, $0x3  }
0xbf: {  	v37 =	vand.u32 $0x7, v62;
	v38 =	vand.u32 $0xFFFFFFC0, v63  }
0xc0: {  	v37 =	vor.u32 v37, v38  }
0xc1: {  	v38 =	vperm.xlane v37, v35;
	_ =	sdelay $0x1  }
0xc2: {  	v38 =	vadd.s32 v36, v38;
	_ =	sdelay $0x4  }
0xc3: {  	[hbm4b:s6+s7] =	stream.indirect_vreg.scatter [tilespmem:s3], [sflag:$0x5], $0x80, v38, vm0, $0xb8;
	[tilespmem:$0x14900] =	vst v63  }
0xc4: {  	v37 =	vperm.xlane v37, v10  }
0xc5: {  	[hbm4b:s2+s7] =	stream.indirect_vreg.scatter [tilespmem:s17], [sflag:$0x5], $0x80, v38, vm0, $0xb8;
	[tilespmem:$0x14900] =	vst v63  }
0xc6: {  	v37 =	vadd.s32 v36, v37  }
0xc7: {  	[hbm4b:s12+s7] =	stream.indirect_vreg.scatter [tilespmem:s4], [sflag:$0x5], $0x80, v38, vm0, $0xb8;
	[tilespmem:$0x14900] =	vst v63  }
0xc8: {  	_ = 	snop  }
0xc9: {  	[hbm4b:s13+s7] =	stream.indirect_vreg.scatter [tilespmem:s5], [sflag:$0x5], $0x80, v38, vm0, $0xb8;
	[tilespmem:$0x14900] =	vst v63  }
0xca: {  	_ = 	snop  }
0xcb: {  	[hbm4b:s6+s7] =	stream.indirect_vreg.scatter [tilespmem:s9], [sflag:$0x5], $0x80, v37, vm0, $0xb8;
	[tilespmem:$0x14900] =	vst v63  }
0xcc: {  	_ = 	snop  }
0xcd: {  	[hbm4b:s2+s7] =	stream.indirect_vreg.scatter [tilespmem:s10], [sflag:$0x5], $0x80, v37, vm0, $0xb8;
	[tilespmem:$0x14900] =	vst v63  }
0xce: {  	s0 =	simm.s32 $0x7800;
	s21 =	rddreg [dreg:$0xa];
	s3 =	simm.s32 $0xC000  }
0xcf: {  	[hbm4b:s12+s7] =	stream.indirect_vreg.scatter [tilespmem:s8], [sflag:$0x5], $0x80, v37, vm0, $0xb8;
	[tilespmem:$0x14900] =	vst v63  }
0xd0: {  	s4 =	simm.s32 $0x8000;
	s5 =	simm.s32 $0x10000;
	s9 =	simm.s32 $0xB000  }
0xd1: {  	[hbm4b:s13+s7] =	stream.indirect_vreg.scatter [tilespmem:s11], [sflag:$0x5], $0x80, v37, vm0, $0xb8;
	[tilespmem:$0x14900] =	vst v63  }
0xd2: {  	s10 =	simm.s32 $0xB800;
	s8 =	simm.s32 $0x0;
	s11 =	simm.s32 $0x90  }
.LBB2_2:
0xd3: {  	_ =	swait.ge [sflag:s26], $0x8000  }
0xd4: {  	[sflag:s26] =	ssyncset.done $0x0  }
0xd5: {  	[sflag:s26] =	ssyncadd.s32 $0xFFFF8000  }
0xd6: {  	v37 =	vld [tilespmem:s11+$0xFFFFFF70];
	_ =	sdelay $0x4  }
0xd7: {  	v38 =	vshll.u32 v37, $0x3  }
0xd8: {  	v37 =	vand.u32 $0x7, v37;
	v38 =	vand.u32 $0xFFFFFFC0, v38  }
0xd9: {  	v37 =	vor.u32 v37, v38  }
0xda: {  	v38 =	vperm.xlane v37, v35;
	_ =	sdelay $0x1  }
0xdb: {  	v38 =	vadd.s32 v36, v38;
	_ =	sdelay $0x3  }
0xdc: {  	s1 =	simm.s32 $0x800  }
0xdd: {  	[hbm4b:s6+s7] =	stream.indirect_vreg.scatter [tilespmem:s1], [sflag:$0x3], $0x80, v38, vm0, $0xb8;
	[tilespmem:$0x14900] =	vst v63  }
0xde: {  	s16 =	simm.s32 $0x1000;
	v37 =	vperm.xlane v37, v10  }
0xdf: {  	[hbm4b:s2+s7] =	stream.indirect_vreg.scatter [tilespmem:s16], [sflag:$0x3], $0x80, v38, vm0, $0xb8;
	[tilespmem:$0x14900] =	vst v63  }
0xe0: {  	s17 =	simm.s32 $0x1800;
	v37 =	vadd.s32 v36, v37  }
0xe1: {  	[hbm4b:s12+s7] =	stream.indirect_vreg.scatter [tilespmem:s17], [sflag:$0x3], $0x80, v38, vm0, $0xb8;
	[tilespmem:$0x14900] =	vst v63  }
0xe2: {  	s15 =	simm.s32 $0x2000  }
0xe3: {  	[hbm4b:s13+s7] =	stream.indirect_vreg.scatter [tilespmem:s15], [sflag:$0x3], $0x80, v38, vm0, $0xb8;
	[tilespmem:$0x14900] =	vst v63  }
0xe4: {  	s16 =	simm.s32 $0x2800  }
0xe5: {  	[hbm4b:s6+s7] =	stream.indirect_vreg.scatter [tilespmem:s16], [sflag:$0x3], $0x80, v37, vm0, $0xb8;
	[tilespmem:$0x14900] =	vst v63  }
0xe6: {  	s17 =	simm.s32 $0x3000  }
0xe7: {  	[hbm4b:s2+s7] =	stream.indirect_vreg.scatter [tilespmem:s17], [sflag:$0x3], $0x80, v37, vm0, $0xb8;
	[tilespmem:$0x14900] =	vst v63  }
0xe8: {  	s15 =	simm.s32 $0x3800  }
0xe9: {  	[hbm4b:s12+s7] =	stream.indirect_vreg.scatter [tilespmem:s15], [sflag:$0x3], $0x80, v37, vm0, $0xb8;
	[tilespmem:$0x14900] =	vst v63  }
0xea: {  	s16 =	simm.s32 $0x4000  }
0xeb: {  	[hbm4b:s13+s7] =	stream.indirect_vreg.scatter [tilespmem:s16], [sflag:$0x3], $0x80, v37, vm0, $0xb8;
	[tilespmem:$0x14900] =	vst v63  }
0xec: {  	v37 =	vld [tilespmem:s11+$0xFFFFFF80];
	_ =	sdelay $0x4  }
0xed: {  	v60 =	vshll.u32 v37, $0x3  }
0xee: {  	v37 =	vand.u32 $0x7, v37;
	v38 =	vand.u32 $0xFFFFFFC0, v60  }
0xef: {  	v37 =	vor.u32 v37, v38  }
0xf0: {  	v38 =	vperm.xlane v37, v35;
	_ =	sdelay $0x1  }
0xf1: {  	v38 =	vadd.s32 v36, v38;
	_ =	sdelay $0x3  }
0xf2: {  	s17 =	simm.s32 $0x4800  }
0xf3: {  	[hbm4b:s6+s7] =	stream.indirect_vreg.scatter [tilespmem:s17], [sflag:$0x3], $0x80, v38, vm0, $0xb8;
	[tilespmem:$0x14900] =	vst v63  }
0xf4: {  	s15 =	simm.s32 $0x5000;
	v37 =	vperm.xlane v37, v10  }
0xf5: {  	[hbm4b:s2+s7] =	stream.indirect_vreg.scatter [tilespmem:s15], [sflag:$0x3], $0x80, v38, vm0, $0xb8;
	[tilespmem:$0x14900] =	vst v63  }
0xf6: {  	s16 =	simm.s32 $0x5800;
	v37 =	vadd.s32 v36, v37  }
0xf7: {  	[hbm4b:s12+s7] =	stream.indirect_vreg.scatter [tilespmem:s16], [sflag:$0x3], $0x80, v38, vm0, $0xb8;
	[tilespmem:$0x14900] =	vst v63  }
0xf8: {  	s17 =	simm.s32 $0x6000  }
0xf9: {  	[hbm4b:s13+s7] =	stream.indirect_vreg.scatter [tilespmem:s17], [sflag:$0x3], $0x80, v38, vm0, $0xb8;
	[tilespmem:$0x14900] =	vst v63  }
0xfa: {  	s15 =	simm.s32 $0x6800  }
0xfb: {  	[hbm4b:s6+s7] =	stream.indirect_vreg.scatter [tilespmem:s15], [sflag:$0x3], $0x80, v37, vm0, $0xb8;
	[tilespmem:$0x14900] =	vst v63  }
0xfc: {  	s16 =	simm.s32 $0x7000  }
0xfd: {  	[hbm4b:s2+s7] =	stream.indirect_vreg.scatter [tilespmem:s16], [sflag:$0x3], $0x80, v37, vm0, $0xb8;
	[tilespmem:$0x14900] =	vst v63  }
0xfe: {  	p0 =	seq.s32 s8, $0xE000  }
0xff: {  	[hbm4b:s12+s7] =	stream.indirect_vreg.scatter [tilespmem:s0], [sflag:$0x3], $0x80, v37, vm0, $0xb8;
	[tilespmem:$0x14900] =	vst v63  }
0x100: {  	s15 =	simm.s32 @!p0 $0x3  }
0x101: {  	[hbm4b:s13+s7] =	stream.indirect_vreg.scatter [tilespmem:s4], [sflag:$0x3], $0x80, v37, vm0, $0xb8;
	[tilespmem:$0x14900] =	vst v63  }
0x102: {  	_ =	swait.ge @!p0 [sflag:s15], $0x8000  }
0x103: {  	[sflag:s15] =	ssyncset.done @!p0 $0x0  }
0x104: {  	[sflag:s15] =	ssyncadd.s32 @!p0 $0xFFFF8000;
	s15 =	sadd.s32 @!p0 s8, s21  }
0x105: {  	s17 =	simm.s32 @!p0 $0x800;
	s16 =	simm.s32 @!p0 $0x0;
	s1 =	sadd.s32 @!p0 $0x2000, s15  }
0x106: {  	[tilespmem:s17], [sflag:$0x1] =	stream.linear.gather @!p0 [hbm4b:s1+s16], $0x8000, $0x38;
	[tilespmem:$0x14900] =	vst v63  }
0x107: {  	_ =	swait.ge [sflag:s20], $0x8000  }
0x108: {  	[sflag:s20] =	ssyncset.done $0x0  }
0x109: {  	[sflag:s20] =	ssyncadd.s32 $0xFFFF8000  }
0x10a: {  	v61 =	vld [tilespmem:s11+$0xFFFFFFF0];
	_ =	sdelay $0x4  }
0x10b: {  	v62 =	vshll.u32 v61, $0x3  }
0x10c: {  	v37 =	vand.u32 $0x7, v61;
	v38 =	vand.u32 $0xFFFFFFC0, v62  }
0x10d: {  	v37 =	vor.u32 v37, v38  }
0x10e: {  	v38 =	vperm.xlane v37, v35;
	_ =	sdelay $0x1  }
0x10f: {  	v38 =	vadd.s32 v36, v38;
	_ =	sdelay $0x3  }
0x110: {  	s17 =	simm.s32 $0x8800  }
0x111: {  	[hbm4b:s6+s7] =	stream.indirect_vreg.scatter [tilespmem:s17], [sflag:$0x4], $0x80, v38, vm0, $0xb8;
	[tilespmem:$0x14900] =	vst v63  }
0x112: {  	v37 =	vperm.xlane v37, v10  }
0x113: {  	[hbm4b:s2+s7] =	stream.indirect_vreg.scatter [tilespmem:s18], [sflag:$0x4], $0x80, v38, vm0, $0xb8;
	[tilespmem:$0x14900] =	vst v63  }
0x114: {  	v37 =	vadd.s32 v36, v37  }
0x115: {  	[hbm4b:s12+s7] =	stream.indirect_vreg.scatter [tilespmem:s19], [sflag:$0x4], $0x80, v38, vm0, $0xb8;
	[tilespmem:$0x14900] =	vst v63  }
0x116: {  	_ = 	snop  }
0x117: {  	[hbm4b:s13+s7] =	stream.indirect_vreg.scatter [tilespmem:s14], [sflag:$0x4], $0x80, v38, vm0, $0xb8;
	[tilespmem:$0x14900] =	vst v63  }
0x118: {  	_ = 	snop  }
0x119: {  	[hbm4b:s6+s7] =	stream.indirect_vreg.scatter [tilespmem:s22], [sflag:$0x4], $0x80, v37, vm0, $0xb8;
	[tilespmem:$0x14900] =	vst v63  }
0x11a: {  	_ = 	snop  }
0x11b: {  	[hbm4b:s2+s7] =	stream.indirect_vreg.scatter [tilespmem:s9], [sflag:$0x4], $0x80, v37, vm0, $0xb8;
	[tilespmem:$0x14900] =	vst v63  }
0x11c: {  	_ = 	snop  }
0x11d: {  	[hbm4b:s12+s7] =	stream.indirect_vreg.scatter [tilespmem:s10], [sflag:$0x4], $0x80, v37, vm0, $0xb8;
	[tilespmem:$0x14900] =	vst v63  }
0x11e: {  	_ = 	snop  }
0x11f: {  	[hbm4b:s13+s7] =	stream.indirect_vreg.scatter [tilespmem:s3], [sflag:$0x4], $0x80, v37, vm0, $0xb8;
	[tilespmem:$0x14900] =	vst v63  }
0x120: {  	v37 =	vld [tilespmem:s11+$0x0];
	_ =	sdelay $0x4  }
0x121: {  	v63 =	vshll.u32 v37, $0x3  }
0x122: {  	v37 =	vand.u32 $0x7, v37;
	v38 =	vand.u32 $0xFFFFFFC0, v63  }
0x123: {  	v37 =	vor.u32 v37, v38  }
0x124: {  	v38 =	vperm.xlane v37, v35;
	_ =	sdelay $0x1  }
0x125: {  	v38 =	vadd.s32 v36, v38;
	_ =	sdelay $0x4  }
0x126: {  	[hbm4b:s6+s7] =	stream.indirect_vreg.scatter [tilespmem:s25], [sflag:$0x4], $0x80, v38, vm0, $0xb8;
	[tilespmem:$0x14900] =	vst v63  }
0x127: {  	v37 =	vperm.xlane v37, v10  }
0x128: {  	[hbm4b:s2+s7] =	stream.indirect_vreg.scatter [tilespmem:s28], [sflag:$0x4], $0x80, v38, vm0, $0xb8;
	[tilespmem:$0x14900] =	vst v63  }
0x129: {  	v37 =	vadd.s32 v36, v37  }
0x12a: {  	[hbm4b:s12+s7] =	stream.indirect_vreg.scatter [tilespmem:s23], [sflag:$0x4], $0x80, v38, vm0, $0xb8;
	[tilespmem:$0x14900] =	vst v63  }
0x12b: {  	_ = 	snop  }
0x12c: {  	[hbm4b:s13+s7] =	stream.indirect_vreg.scatter [tilespmem:s24], [sflag:$0x4], $0x80, v38, vm0, $0xb8;
	[tilespmem:$0x14900] =	vst v63  }
0x12d: {  	_ = 	snop  }
0x12e: {  	[hbm4b:s6+s7] =	stream.indirect_vreg.scatter [tilespmem:s29], [sflag:$0x4], $0x80, v37, vm0, $0xb8;
	[tilespmem:$0x14900] =	vst v63  }
0x12f: {  	s8 =	sadd.s32 @!p0 $0x2000, s8  }
0x130: {  	[hbm4b:s2+s7] =	stream.indirect_vreg.scatter [tilespmem:s30], [sflag:$0x4], $0x80, v37, vm0, $0xb8;
	[tilespmem:$0x14900] =	vst v63  }
0x131: {  	p1 =	sne.s32 @!p0 s8, $0x10000  }
0x132: {  	[hbm4b:s12+s7] =	stream.indirect_vreg.scatter [tilespmem:s31], [sflag:$0x4], $0x80, v37, vm0, $0xb8;
	[tilespmem:$0x14900] =	vst v63  }
0x133: {  	p1 =	por p0, !p1  }
0x134: {  	[hbm4b:s13+s7] =	stream.indirect_vreg.scatter [tilespmem:s5], [sflag:$0x4], $0x80, v37, vm0, $0xb8;
	[tilespmem:$0x14900] =	vst v63  }
.Ltmp0:
0x135: {  	s1 =	simm.s32 @!p0 $0x4;
	(pc) =	sbr.rel @!p1 .LBB2_2-.Ltmp0, $4  }
0x136: {  	_ =	swait.ge @!p0 [sflag:s1], $0x8000  }
0x137: {  	s11 =	sadd.s32 @!p0 $0x100, s11;
	[sflag:s1] =	ssyncset.done @!p0 $0x0  }
0x138: {  	[sflag:s1] =	ssyncadd.s32 @!p0 $0xFFFF8000;
	s1 =	sadd.s32 @!p0 $0x3000, s15;
	s15 =	simm.s32 @!p0 $0x8800  }
0x139: {  	[tilespmem:s15], [sflag:$0x2] =	stream.linear.gather @!p0 [hbm4b:s1+s16], $0x8000, $0x38;
	[tilespmem:$0x14900] =	vst v63  }
0x13a: {  	s0 =	simm.s32 $0x3  }
0x13b: {  	_ =	swait.ge [sflag:s0], $0x8000  }
0x13c: {  	[sflag:s0] =	ssyncset.done $0x0  }
0x13d: {  	s17 =	simm.s32 $0x4;
	[sflag:s0] =	ssyncadd.s32 $0xFFFF8000  }
0x13e: {  	_ =	swait.ge [sflag:s17], $0x8000  }
0x13f: {  	[sflag:s17] =	ssyncset.done $0x0  }
0x140: {  	s8 =	simm.s32 $0x5;
	[sflag:s17] =	ssyncadd.s32 $0xFFFF8000  }
0x141: {  	_ =	swait.ge [sflag:s8], $0x4000  }
0x142: {  	s21 =	rddreg [dreg:$0xb]  }
0x143: {  	s1 =	rddreg [dreg:$0x9];
	s0 =	sadd.s32 $0x1, s21  }
0x144: {  	p0 =	sne.s32 s0, s1  }
.Ltmp1:
0x145: {  	_ = 	snop;
	(pc) =	sbr.rel @p0 .LBB2_1-.Ltmp1, $3  }
0x146: {  	_ =	sdelay $0x1  }
0x147: {  	[sflag:s8] =	ssyncset.done $0x0  }
0x148: {  	[sflag:s8] =	ssyncadd.s32 $0xFFFFC000  }
0x149: {  	_ =	sfence.sel $0x180000  }
0x14a: {  	[bflag:$0x0] =	sbarrier.arrive $0xFFFF  }
0x14b: {  	_ =	strace $0x90000047  }
0x14c: {  	s0 =	stileid.u32;
	[bflag:$0x2] =	sbarrier.arrive $0xFFFF  }
0x14d: {  	p0 =	sne.s32 s0, $0x0;
	s0 =	rddreg [dreg:$0x3]  }
0x14e: {  	s0 =	sadd.s32 @!p0 $0x100000, s0  }
0x14f: {  	[sflag:s0] =	ssyncadd.tile.s32 @!p0 $0x1;
	_ =	shalt  }
.Lfunc_end2:
_tile_overlayer_lowered:
.L_overlay_start_2:
0x150: {  	(tag) =	ssettag $0x2  }
0x151: {  	s0 =	rddreg [dreg:$0x0];
	s2 =	stileid.u32  }
0x152: {  	s1 =	rddreg [dreg:$0x1];
	p0 =	sne.s32 s2, $0x0  }
0x153: {  	s3 =	rddreg [dreg:$0x2];
	[bflag:$0x3] =	sbarrier.arrive $0xFFFF;
	s2 =	simm.s32 @!p0 $0x1C06  }
0x154: {  	[timem:s3], [sflag:s2] =	dma.local @!p0 [hbm:s0], s1  }
0x155: {  	s0 =	simm.s32 @!p0 $0x6  }
0x156: {  	_ =	swait.ge @!p0 [sflag:s0], s1  }
0x157: {  	s1 =	ssub.s32 @!p0 $0x0, s1;
	[sflag:s0] =	ssyncset.done @!p0 $0x0  }
0x158: {  	[sflag:s0] =	ssyncadd.s32 @!p0 s1  }
0x159: {  	[bflag:$0x3] =	sbarrier.arrive $0xFFFF  }
0x15a: {  	_ =	shalt  }

</sc_bundles>
